<compile_context>
chip_gen: v7x
topology: tpu7x:2x2x1
jax: 0.10.2.dev20260603
libtpu: 0.0.44.dev20260713+nightly
codegen_flags: <defaults>
</compile_context>

<pallas_src>
import functools

import jax
import jax.numpy as jnp
from jax import lax
from jax.experimental import pallas as pl
from jax.experimental.pallas import tpu as pltpu
from jax.experimental.pallas import tpu_sc as plsc

N = 10000
E = 320000
D = 128
DOUT = 16
G = 8

NW = 32
EPW = E // NW
K = 80
NCH = EPW // K
NSUB = 16
RQ = 624
RL = N - (NSUB - 1) * RQ
BLK = 1000
NBLK = N // BLK
NPAD = 10240
HR = NPAD // 128


def _copy_slices(s, src_fn, dst_fn):
    @pl.when(s < NSUB - 1)
    def _():
        pltpu.sync_copy(src_fn(s * RQ, RQ), dst_fn(s * RQ, RQ))

    @pl.when(s == NSUB - 1)
    def _():
        pltpu.sync_copy(src_fn((NSUB - 1) * RQ, RL),
                        dst_fn((NSUB - 1) * RQ, RL))


def _deg_body(dstf, zeros128, out, idx_v, hist):
    c = lax.axis_index("c")
    s = lax.axis_index("s")
    wid = s * 2 + c
    pltpu.sync_copy(zeros128.at[pl.ds(0, HR), :], hist)
    pltpu.sync_copy(dstf.at[pl.ds(wid * EPW, EPW)], idx_v)
    ones = jnp.ones((16,), jnp.float32)

    def body(k, carry):
        iv = idx_v[pl.ds(k * 16, 16)]
        row = lax.shift_right_logical(iv, 7)
        col = lax.bitwise_and(iv, 127)
        plsc.addupdate_scatter(hist, [row, col], ones)
        return carry

    lax.fori_loop(0, EPW // 16, body, 0)
    pltpu.sync_copy(hist, out.at[wid])


@functools.cache
def _sc_calls():
    mesh = plsc.VectorSubcoreMesh(core_axis_name="c", subcore_axis_name="s",
                                  num_cores=2, num_subcores=NSUB)
    deg_call = pl.kernel(
        _deg_body,
        out_type=jax.ShapeDtypeStruct((NW, HR, 128), jnp.float32),
        compiler_params=pltpu.CompilerParams(needs_layout_passes=False),
        mesh=mesh,
        scratch_types=[
            pltpu.VMEM((EPW,), jnp.int32),
            pltpu.VMEM((HR, 128), jnp.float32),
        ],
    )
    agg_call = pl.kernel(
        _agg_body,
        out_type=jax.ShapeDtypeStruct((2, N, D), jnp.float32),
        mesh=mesh,
        scratch_types=[
            pltpu.VMEM((EPW,), jnp.int32),
            pltpu.VMEM((NCH, K), jnp.int32),
            pltpu.VMEM((K, D), jnp.float32),
            pltpu.VMEM((K, D), jnp.float32),
            pltpu.VMEM_SHARED((N, D), jnp.float32),
            pltpu.SemaphoreType.DMA,
            pltpu.SemaphoreType.DMA,
        ],
    )
    return deg_call, agg_call


def _sidx(idx_s, j):
    return idx_s.at[pl.ds(j * K, K)]


def _agg_body(g_hbm, srcf, dstr, zeros128, out,
              idx_s, idx_d, rows0, rows1, acc, gsem0, gsem1):
    c = lax.axis_index("c")
    s = lax.axis_index("s")
    wid = s * 2 + c
    _copy_slices(s, lambda o, n: zeros128.at[pl.ds(0, n), :],
                 lambda o, n: acc.at[pl.ds(o, n), :])
    pltpu.sync_copy(srcf.at[pl.ds(wid * EPW, EPW)], idx_s)
    pltpu.sync_copy(dstr.at[wid], idx_d)
    plsc.subcore_barrier()

    pltpu.async_copy(g_hbm.at[_sidx(idx_s, 0)], rows0, gsem0).wait()
    pltpu.async_copy(g_hbm.at[_sidx(idx_s, 1)], rows1, gsem1)
    pltpu.sync_copy(rows0, acc.at[idx_d.at[0]], add=True)

    def body(jj, carry):
        a = 2 * jj + 1
        b = a + 1
        pltpu.make_async_copy(g_hbm.at[_sidx(idx_s, a)], rows1, gsem1).wait()
        pltpu.async_copy(g_hbm.at[_sidx(idx_s, b)], rows0, gsem0)
        pltpu.sync_copy(rows1, acc.at[idx_d.at[a]], add=True)
        pltpu.make_async_copy(g_hbm.at[_sidx(idx_s, b)], rows0, gsem0).wait()
        pltpu.async_copy(g_hbm.at[_sidx(idx_s, b + 1)], rows1, gsem1)
        pltpu.sync_copy(rows0, acc.at[idx_d.at[b]], add=True)
        return carry

    lax.fori_loop(0, (NCH - 3) // 2, body, 0)
    pltpu.make_async_copy(g_hbm.at[_sidx(idx_s, NCH - 2)], rows1, gsem1).wait()
    pltpu.async_copy(g_hbm.at[_sidx(idx_s, NCH - 1)], rows0, gsem0)
    pltpu.sync_copy(rows1, acc.at[idx_d.at[NCH - 2]], add=True)
    pltpu.make_async_copy(g_hbm.at[_sidx(idx_s, NCH - 1)], rows0, gsem0).wait()
    pltpu.sync_copy(rows0, acc.at[idx_d.at[NCH - 1]], add=True)
    plsc.subcore_barrier()
    _copy_slices(s, lambda o, n: acc.at[pl.ds(o, n), :],
                 lambda o, n: out.at[c, pl.ds(o, n), :])



def _dinv_from(dg):
    deg = jnp.sum(dg[...], axis=1, keepdims=True) + 1.0
    return lax.rsqrt(deg)


def _tc_first_body(dg, x, w1, g1):
    dinv = _dinv_from(dg)
    g1[...] = jnp.dot(x[...], w1[...],
                      preferred_element_type=jnp.float32) * dinv


def _tc_mid_body(dg, agg, g1, b1, w2, g2):
    dinv = _dinv_from(dg)
    h = jnp.maximum((agg[0] + agg[1] + g1[...]) * dinv + b1[...], 0.0)
    g2[...] = jnp.dot(h, w2[...], preferred_element_type=jnp.float32) * dinv


def _tc_last_body(dg, agg, g2, b2, xb, wh, bh, out, pooled):
    i = pl.program_id(0)
    dinv = _dinv_from(dg)
    h = jnp.maximum((agg[0] + agg[1] + g2[...]) * dinv + b2[...], 0.0)
    gi = lax.broadcasted_iota(jnp.int32, (G, BLK), 0)
    m = (gi == xb[0]).astype(jnp.float32)
    pp = jnp.dot(m, h, preferred_element_type=jnp.float32)

    @pl.when(i == 0)
    def _():
        pooled[...] = pp

    @pl.when(i > 0)
    def _():
        pooled[...] += pp

    @pl.when(i == NBLK - 1)
    def _():
        o = jnp.dot(pooled[...], wh[...],
                    preferred_element_type=jnp.float32) + bh[...]
        z = o - jnp.max(o, axis=1, keepdims=True)
        lse = jnp.log(jnp.sum(jnp.exp(z), axis=1, keepdims=True))
        out[...] = z - lse


def _dinv_spec():
    return pl.BlockSpec((BLK, NW), lambda i: (i, 0))


def _rows_spec():
    return pl.BlockSpec((BLK, D), lambda i: (i, 0))


def _agg_spec():
    return pl.BlockSpec((2, BLK, D), lambda i: (0, i, 0))


def _full_spec(shape):
    nd = len(shape)
    return pl.BlockSpec(shape, lambda i: (0,) * nd)


_tc_first = pl.pallas_call(
    _tc_first_body,
    grid=(NBLK,),
    in_specs=[_dinv_spec(), _rows_spec(), _full_spec((D, D))],
    out_specs=_rows_spec(),
    out_shape=jax.ShapeDtypeStruct((N, D), jnp.float32),
)

_tc_mid = pl.pallas_call(
    _tc_mid_body,
    grid=(NBLK,),
    in_specs=[_dinv_spec(), _agg_spec(), _rows_spec(),
              _full_spec((1, D)), _full_spec((D, D))],
    out_specs=_rows_spec(),
    out_shape=jax.ShapeDtypeStruct((N, D), jnp.float32),
)

_tc_last = pl.pallas_call(
    _tc_last_body,
    grid=(NBLK,),
    in_specs=[_dinv_spec(), _agg_spec(), _rows_spec(),
              _full_spec((1, D)),
              pl.BlockSpec((1, 1, BLK), lambda i: (i, 0, 0)),
              _full_spec((D, DOUT)), _full_spec((1, DOUT))],
    out_specs=_full_spec((G, DOUT)),
    out_shape=jax.ShapeDtypeStruct((G, DOUT), jnp.float32),
    scratch_shapes=[pltpu.VMEM((G, D), jnp.float32)],
)


def kernel(x, edge_index, x_batch, W1, b1, W2, b2, Wh, bh):
    srcf = edge_index[0]
    dstf = edge_index[1]
    dstr = dstf.reshape(NW, NCH, K)
    zeros128 = jnp.zeros((RL, D), jnp.float32)
    xb = x_batch.reshape(NBLK, 1, BLK)
    b1r = b1.reshape(1, D)
    b2r = b2.reshape(1, D)
    bhr = bh.reshape(1, DOUT)

    deg_call, agg_call = _sc_calls()
    degp32 = deg_call(dstf, zeros128)
    dg = degp32.reshape(NW, NPAD).T
    g1 = _tc_first(dg, x, W1)
    agg1 = agg_call(g1, srcf, dstr, zeros128)
    g2 = _tc_mid(dg, agg1, g1, b1r, W2)
    agg2 = agg_call(g2, srcf, dstr, zeros128)
    return _tc_last(dg, agg2, g2, b2r, xb, Wh, bhr)

# --- scband reference (transcript-rebuilt; emitter-appended) ---
"""Pipeline reference for scband-example-gnn-36000415875682 (READ-ONLY COPY).

The authoritative reference and input builder live on the scoring server;
editing this copy changes nothing except your own understanding.
"""

import jax, jax.numpy as jnp
import numpy as np

N = 10000
E = 320000
D = 128
DOUT = 16
G = 8


def setup_inputs(seed: int = 0) -> dict:
    key = jax.random.key(seed)
    ks = jax.random.split(key, 10)
    x = jax.random.normal(ks[0], (N, D), dtype=jnp.float32)
    edge_index = jax.random.randint(ks[1], (2, E), 0, N, dtype=jnp.int32)
    x_batch = jnp.sort(jax.random.randint(ks[2], (N,), 0, G, dtype=jnp.int32))
    W1 = jax.random.normal(ks[3], (D, D), dtype=jnp.float32) * 0.05
    b1 = jnp.zeros((D,), dtype=jnp.float32)
    W2 = jax.random.normal(ks[4], (D, D), dtype=jnp.float32) * 0.05
    b2 = jnp.zeros((D,), dtype=jnp.float32)
    Wh = jax.random.normal(ks[5], (D, DOUT), dtype=jnp.float32) * 0.05
    bh = jnp.zeros((DOUT,), dtype=jnp.float32)
    return {"x": x, "edge_index": edge_index, "x_batch": x_batch,
            "W1": W1, "b1": b1, "W2": W2, "b2": b2, "Wh": Wh, "bh": bh}


def _gcn_conv(x, src, dst, W, b):
    # GCNConv: x' = D^{-1/2} (A + I) D^{-1/2} (x W) + b
    h = x @ W
    loop = jnp.arange(N, dtype=src.dtype)
    s = jnp.concatenate([src, loop])
    d = jnp.concatenate([dst, loop])
    deg = jnp.zeros((N,), dtype=h.dtype).at[d].add(1.0)
    dinv = jax.lax.rsqrt(deg)  # deg >= 1 due to self-loops
    norm = dinv[s] * dinv[d]
    msg = h[s] * norm[:, None]
    out = jnp.zeros_like(h).at[d].add(msg)
    return out + b


def reference(x, edge_index, x_batch, W1, b1, W2, b2, Wh, bh):
    src, dst = edge_index[0], edge_index[1]
    h = _gcn_conv(x, src, dst, W1, b1)
    h = jax.nn.relu(h)
    # dropout is a no-op in eval mode
    h = _gcn_conv(h, src, dst, W2, b2)
    h = jax.nn.relu(h)
    pooled = jax.ops.segment_sum(h, x_batch, num_segments=G)
    out = pooled @ Wh + bh
    return jax.nn.log_softmax(out, axis=1)

if __name__ == "__main__":
    import jax
    _d = setup_inputs()
    print(jax.jit(kernel)(*tuple(_d.values())))

</pallas_src>

<mosaic_0001>
#map = affine_map<(d0, d1) -> (0)>
#map1 = affine_map<(d0, d1) -> (0, 0)>
#map2 = affine_map<(d0, d1) -> (0, 0, 0)>
module attributes {stable_mosaic.version = 14 : i64} {
  func.func @_deg_body(%arg0: i32, %arg1: i32, %arg2: memref<320000xi32, #tpu.memory_space<hbm>>, %arg3: memref<640x128xf32, #tpu.memory_space<hbm>>, %arg4: memref<32x80x128xf32, #tpu.memory_space<hbm>>, %arg5: memref<10000xi32, #tpu.memory_space<vmem>>, %arg6: memref<80x128xf32, #tpu.memory_space<vmem>>) attributes {dimension_semantics = [#tpu.dimension_semantics<core_parallel>, #tpu.dimension_semantics<subcore_parallel>], iteration_bounds = array<i64: 2, 16>, scalar_prefetch = 0 : i64, scratch_operands = 2 : i64, tpu.core_type = #tpu.core_type<sc_vector_subcore>, window_params = [{transform_indices = #map}, {transform_indices = #map1}, {transform_indices = #map2}]} {
    %mul3A = arith.constant 2 : i32
    %mul3A_0 = arith.muli %arg1, %mul3A : i32
    %add3A = arith.addi %mul3A_0, %arg0 : i32
    "tpu.region"() ({
      %run_scoped3A = tpu.sem_alloc : memref<!tpu.dma_semaphore, #tpu.memory_space<semaphore_mem>>
      %dma_start3A = arith.constant 0 : i32
      %dma_start3A_9 = arith.constant 0 : i32
      %dma_start3A_10 = tpu.memref_slice %arg3[%dma_start3A, %dma_start3A_9] : memref<640x128xf32, #tpu.memory_space<hbm>> -> memref<80x128xf32, #tpu.memory_space<hbm>>
      %dma_start3A_11 = arith.constant 0 : i32
      %dma_start3A_12 = arith.constant 0 : i32
      %dma_start3A_13 = tpu.memref_slice %arg3[%dma_start3A_11, %dma_start3A_12] : memref<640x128xf32, #tpu.memory_space<hbm>> -> memref<80x128xf32, #tpu.memory_space<hbm>>
      tpu.enqueue_dma source(%dma_start3A_13 : memref<80x128xf32, #tpu.memory_space<hbm>>) target(%arg6 : memref<80x128xf32, #tpu.memory_space<vmem>>) target_semaphore(%run_scoped3A : memref<!tpu.dma_semaphore, #tpu.memory_space<semaphore_mem>>)
      %dma_wait3A = arith.constant 0 : i32
      %dma_wait3A_14 = arith.constant 0 : i32
      %dma_wait3A_15 = tpu.memref_slice %arg3[%dma_wait3A, %dma_wait3A_14] : memref<640x128xf32, #tpu.memory_space<hbm>> -> memref<80x128xf32, #tpu.memory_space<hbm>>
      %dma_wait3A_16 = arith.constant 0 : i32
      %dma_wait3A_17 = arith.constant 0 : i32
      %dma_wait3A_18 = tpu.memref_slice %arg3[%dma_wait3A_16, %dma_wait3A_17] : memref<640x128xf32, #tpu.memory_space<hbm>> -> memref<80x128xf32, #tpu.memory_space<hbm>>
      tpu.wait_dma2 semaphore(%run_scoped3A : memref<!tpu.dma_semaphore, #tpu.memory_space<semaphore_mem>>) src(%dma_wait3A_18 : memref<80x128xf32, #tpu.memory_space<hbm>>) dst(%arg6 : memref<80x128xf32, #tpu.memory_space<vmem>>)
      tpu.yield
    }) : () -> ()
    %mul3A_1 = arith.constant 10000 : i32
    %mul3A_2 = arith.muli %add3A, %mul3A_1 : i32
    "tpu.region"() ({
      %run_scoped3A = tpu.sem_alloc : memref<!tpu.dma_semaphore, #tpu.memory_space<semaphore_mem>>
      %dma_start3A = tpu.memref_slice %arg2[%mul3A_2] : memref<320000xi32, #tpu.memory_space<hbm>> -> memref<10000xi32, #tpu.memory_space<hbm>>
      %dma_start3A_9 = tpu.memref_slice %arg2[%mul3A_2] : memref<320000xi32, #tpu.memory_space<hbm>> -> memref<10000xi32, #tpu.memory_space<hbm>>
      tpu.enqueue_dma source(%dma_start3A_9 : memref<10000xi32, #tpu.memory_space<hbm>>) target(%arg5 : memref<10000xi32, #tpu.memory_space<vmem>>) target_semaphore(%run_scoped3A : memref<!tpu.dma_semaphore, #tpu.memory_space<semaphore_mem>>)
      %dma_wait3A = tpu.memref_slice %arg2[%mul3A_2] : memref<320000xi32, #tpu.memory_space<hbm>> -> memref<10000xi32, #tpu.memory_space<hbm>>
      %dma_wait3A_10 = tpu.memref_slice %arg2[%mul3A_2] : memref<320000xi32, #tpu.memory_space<hbm>> -> memref<10000xi32, #tpu.memory_space<hbm>>
      tpu.wait_dma2 semaphore(%run_scoped3A : memref<!tpu.dma_semaphore, #tpu.memory_space<semaphore_mem>>) src(%dma_wait3A_10 : memref<10000xi32, #tpu.memory_space<hbm>>) dst(%arg5 : memref<10000xi32, #tpu.memory_space<vmem>>)
      tpu.yield
    }) : () -> ()
    %broadcast_in_dim3A = arith.constant 1.000000e+00 : f32
    %broadcast_in_dim3A_3 = vector.broadcast %broadcast_in_dim3A : f32 to vector<16xf32>
    %scan3A = arith.constant 0 : i32
    %scan3A_4 = arith.constant 0 : i32
    %scan3A_5 = arith.constant 625 : i32
    %scan3A_6 = arith.addi %scan3A_4, %scan3A_5 : i32
    %scan3A_7 = arith.constant 1 : i32
    scf.for %scan3A_9 = %scan3A_4 to %scan3A_6 step %scan3A_7  : i32 {
      %mul3A_10 = arith.constant 16 : i32
      %mul3A_11 = arith.muli %scan3A_9, %mul3A_10 : i32
      %get3A = arith.index_cast %mul3A_11 : i32 to index
      %get3A_12 = tpu.vector_load %arg5[%get3A] {strides = array<i32>} : memref<10000xi32, #tpu.memory_space<vmem>>, vector<16xi32>,
      %shift_right_logical3A = arith.constant 7 : i32
      %shift_right_logical3A_13 = vector.broadcast %shift_right_logical3A : i32 to vector<16xi32>
      %shift_right_logical3A_14 = arith.shrui %get3A_12, %shift_right_logical3A_13 : vector<16xi32>
      %and3A = arith.constant 127 : i32
      %and3A_15 = vector.broadcast %and3A : i32 to vector<16xi32>
      %and3A_16 = arith.andi %get3A_12, %and3A_15 : vector<16xi32>
      tpu.vector_store_idx %arg6[%shift_right_logical3A_14, %and3A_16], %broadcast_in_dim3A_3 {add = true} : memref<80x128xf32, #tpu.memory_space<vmem>>[vector<16xi32>, vector<16xi32>], vector<16xf32>,
    }
    %scan3A_8 = arith.constant 625 : i32
    "tpu.region"() ({
      %run_scoped3A = tpu.sem_alloc : memref<!tpu.dma_semaphore, #tpu.memory_space<semaphore_mem>>
      %dma_start3A = arith.constant 0 : i32
      %dma_start3A_9 = arith.constant 0 : i32
      %dma_start3A_10 = tpu.memref_slice %arg4[%add3A, %dma_start3A, %dma_start3A_9] : memref<32x80x128xf32, #tpu.memory_space<hbm>> -> memref<1x80x128xf32, #tpu.memory_space<hbm>>
      %dma_start3A_11 = tpu.memref_squeeze %dma_start3A_10 : memref<1x80x128xf32, #tpu.memory_space<hbm>> -> memref<80x128xf32, #tpu.memory_space<hbm>>
      %dma_start3A_12 = arith.constant 0 : i32
      %dma_start3A_13 = arith.constant 0 : i32
      %dma_start3A_14 = tpu.memref_slice %arg4[%add3A, %dma_start3A_12, %dma_start3A_13] : memref<32x80x128xf32, #tpu.memory_space<hbm>> -> memref<1x80x128xf32, #tpu.memory_space<hbm>>
      %dma_start3A_15 = tpu.memref_squeeze %dma_start3A_14 : memref<1x80x128xf32, #tpu.memory_space<hbm>> -> memref<80x128xf32, #tpu.memory_space<hbm>>
      tpu.enqueue_dma source(%arg6 : memref<80x128xf32, #tpu.memory_space<vmem>>) target(%dma_start3A_15 : memref<80x128xf32, #tpu.memory_space<hbm>>) target_semaphore(%run_scoped3A : memref<!tpu.dma_semaphore, #tpu.memory_space<semaphore_mem>>)
      %dma_wait3A = arith.constant 0 : i32
      %dma_wait3A_16 = arith.constant 0 : i32
      %dma_wait3A_17 = tpu.memref_slice %arg4[%add3A, %dma_wait3A, %dma_wait3A_16] : memref<32x80x128xf32, #tpu.memory_space<hbm>> -> memref<1x80x128xf32, #tpu.memory_space<hbm>>
      %dma_wait3A_18 = tpu.memref_squeeze %dma_wait3A_17 : memref<1x80x128xf32, #tpu.memory_space<hbm>> -> memref<80x128xf32, #tpu.memory_space<hbm>>
      %dma_wait3A_19 = arith.constant 0 : i32
      %dma_wait3A_20 = arith.constant 0 : i32
      %dma_wait3A_21 = tpu.memref_slice %arg4[%add3A, %dma_wait3A_19, %dma_wait3A_20] : memref<32x80x128xf32, #tpu.memory_space<hbm>> -> memref<1x80x128xf32, #tpu.memory_space<hbm>>
      %dma_wait3A_22 = tpu.memref_squeeze %dma_wait3A_21 : memref<1x80x128xf32, #tpu.memory_space<hbm>> -> memref<80x128xf32, #tpu.memory_space<hbm>>
      tpu.wait_dma2 semaphore(%run_scoped3A : memref<!tpu.dma_semaphore, #tpu.memory_space<semaphore_mem>>) src(%arg6 : memref<80x128xf32, #tpu.memory_space<vmem>>) dst(%dma_wait3A_22 : memref<80x128xf32, #tpu.memory_space<hbm>>)
      tpu.yield
    }) : () -> ()
    return
  }
}

#map = affine_map<(d0, d1) -> (0, 0)>
#map1 = affine_map<(d0, d1) -> (0)>
#map2 = affine_map<(d0, d1) -> (0, 0, 0)>
module attributes {stable_mosaic.version = 14 : i64} {
  func.func @_agg_body(%arg0: i32, %arg1: i32, %arg2: memref<10000x128xf32, #tpu.memory_space<hbm>>, %arg3: memref<320000xi32, #tpu.memory_space<hbm>>, %arg4: memref<32x125x80xi32, #tpu.memory_space<hbm>>, %arg5: memref<640x128xf32, #tpu.memory_space<hbm>>, %arg6: memref<2x10000x128xf32, #tpu.memory_space<hbm>>, %arg7: memref<10000xi32, #tpu.memory_space<vmem>>, %arg8: memref<125x80xi32, #tpu.memory_space<vmem>>, %arg9: memref<80x128xf32, #tpu.memory_space<vmem>>, %arg10: memref<80x128xf32, #tpu.memory_space<vmem>>, %arg11: memref<10000x128xf32, #tpu.memory_space<vmem_shared>>, %arg12: memref<!tpu.dma_semaphore, #tpu.memory_space<semaphore_mem>>, %arg13: memref<!tpu.dma_semaphore, #tpu.memory_space<semaphore_mem>>) attributes {dimension_semantics = [#tpu.dimension_semantics<core_parallel>, #tpu.dimension_semantics<subcore_parallel>], iteration_bounds = array<i64: 2, 16>, scalar_prefetch = 0 : i64, scratch_operands = 7 : i64, tpu.core_type = #tpu.core_type<sc_vector_subcore>, window_params = [{transform_indices = #map}, {transform_indices = #map1}, {transform_indices = #map2}, {transform_indices = #map}, {transform_indices = #map2}]} {
    %mul3A = arith.constant 2 : i32
    %mul3A_0 = arith.muli %arg1, %mul3A : i32
    %add3A = arith.addi %mul3A_0, %arg0 : i32
    %lt3A = arith.constant 15 : i32
    %lt3A_1 = arith.cmpi slt, %arg1, %lt3A : i32
    %convert_element_type3A = arith.extui %lt3A_1 : i1 to i32
    %cond3A = arith.constant 0 : i32
    %cond3A_2 = arith.cmpi ne, %convert_element_type3A, %cond3A : i32
    scf.if %cond3A_2 {
      %mul3A_55 = arith.constant 624 : i32
      %mul3A_56 = arith.muli %arg1, %mul3A_55 : i32
      %mul3A_57 = arith.constant 624 : i32
      %mul3A_58 = arith.muli %arg1, %mul3A_57 : i32
      "tpu.region"() ({
        %run_scoped3A_59 = tpu.sem_alloc : memref<!tpu.dma_semaphore, #tpu.memory_space<semaphore_mem>>
        %dma_start3A_60 = arith.constant 0 : i32
        %dma_start3A_61 = tpu.memref_slice %arg11[%mul3A_58, %dma_start3A_60] : memref<10000x128xf32, #tpu.memory_space<vmem_shared>> -> memref<624x128xf32, #tpu.memory_space<vmem_shared>>
        %dma_start3A_62 = arith.constant 0 : i32
        %dma_start3A_63 = arith.constant 0 : i32
        %dma_start3A_64 = tpu.memref_slice %arg5[%dma_start3A_62, %dma_start3A_63] : memref<640x128xf32, #tpu.memory_space<hbm>> -> memref<624x128xf32, #tpu.memory_space<hbm>>
        tpu.enqueue_dma source(%dma_start3A_64 : memref<624x128xf32, #tpu.memory_space<hbm>>) target(%dma_start3A_61 : memref<624x128xf32, #tpu.memory_space<vmem_shared>>) target_semaphore(%run_scoped3A_59 : memref<!tpu.dma_semaphore, #tpu.memory_space<semaphore_mem>>)
        %dma_wait3A_65 = arith.constant 0 : i32
        %dma_wait3A_66 = tpu.memref_slice %arg11[%mul3A_58, %dma_wait3A_65] : memref<10000x128xf32, #tpu.memory_space<vmem_shared>> -> memref<624x128xf32, #tpu.memory_space<vmem_shared>>
        %dma_wait3A_67 = arith.constant 0 : i32
        %dma_wait3A_68 = arith.constant 0 : i32
        %dma_wait3A_69 = tpu.memref_slice %arg5[%dma_wait3A_67, %dma_wait3A_68] : memref<640x128xf32, #tpu.memory_space<hbm>> -> memref<624x128xf32, #tpu.memory_space<hbm>>
        tpu.wait_dma2 semaphore(%run_scoped3A_59 : memref<!tpu.dma_semaphore, #tpu.memory_space<semaphore_mem>>) src(%dma_wait3A_69 : memref<624x128xf32, #tpu.memory_space<hbm>>) dst(%dma_wait3A_66 : memref<624x128xf32, #tpu.memory_space<vmem_shared>>)
        tpu.yield
      }) : () -> ()
    } else {
    }
    %eq3A = arith.constant 15 : i32
    %eq3A_3 = arith.cmpi eq, %arg1, %eq3A : i32
    %convert_element_type3A_4 = arith.extui %eq3A_3 : i1 to i32
    %cond3A_5 = arith.constant 0 : i32
    %cond3A_6 = arith.cmpi ne, %convert_element_type3A_4, %cond3A_5 : i32
    scf.if %cond3A_6 {
      "tpu.region"() ({
        %run_scoped3A_55 = tpu.sem_alloc : memref<!tpu.dma_semaphore, #tpu.memory_space<semaphore_mem>>
        %dma_start3A_56 = arith.constant 9360 : i32
        %dma_start3A_57 = arith.constant 0 : i32
        %dma_start3A_58 = tpu.memref_slice %arg11[%dma_start3A_56, %dma_start3A_57] : memref<10000x128xf32, #tpu.memory_space<vmem_shared>> -> memref<640x128xf32, #tpu.memory_space<vmem_shared>>
        %dma_start3A_59 = arith.constant 0 : i32
        %dma_start3A_60 = arith.constant 0 : i32
        %dma_start3A_61 = tpu.memref_slice %arg5[%dma_start3A_59, %dma_start3A_60] : memref<640x128xf32, #tpu.memory_space<hbm>> -> memref<640x128xf32, #tpu.memory_space<hbm>>
        tpu.enqueue_dma source(%dma_start3A_61 : memref<640x128xf32, #tpu.memory_space<hbm>>) target(%dma_start3A_58 : memref<640x128xf32, #tpu.memory_space<vmem_shared>>) target_semaphore(%run_scoped3A_55 : memref<!tpu.dma_semaphore, #tpu.memory_space<semaphore_mem>>)
        %dma_wait3A_62 = arith.constant 9360 : i32
        %dma_wait3A_63 = arith.constant 0 : i32
        %dma_wait3A_64 = tpu.memref_slice %arg11[%dma_wait3A_62, %dma_wait3A_63] : memref<10000x128xf32, #tpu.memory_space<vmem_shared>> -> memref<640x128xf32, #tpu.memory_space<vmem_shared>>
        %dma_wait3A_65 = arith.constant 0 : i32
        %dma_wait3A_66 = arith.constant 0 : i32
        %dma_wait3A_67 = tpu.memref_slice %arg5[%dma_wait3A_65, %dma_wait3A_66] : memref<640x128xf32, #tpu.memory_space<hbm>> -> memref<640x128xf32, #tpu.memory_space<hbm>>
        tpu.wait_dma2 semaphore(%run_scoped3A_55 : memref<!tpu.dma_semaphore, #tpu.memory_space<semaphore_mem>>) src(%dma_wait3A_67 : memref<640x128xf32, #tpu.memory_space<hbm>>) dst(%dma_wait3A_64 : memref<640x128xf32, #tpu.memory_space<vmem_shared>>)
        tpu.yield
      }) : () -> ()
    } else {
    }
    %mul3A_7 = arith.constant 10000 : i32
    %mul3A_8 = arith.muli %add3A, %mul3A_7 : i32
    "tpu.region"() ({
      %run_scoped3A_55 = tpu.sem_alloc : memref<!tpu.dma_semaphore, #tpu.memory_space<semaphore_mem>>
      %dma_start3A_56 = tpu.memref_slice %arg3[%mul3A_8] : memref<320000xi32, #tpu.memory_space<hbm>> -> memref<10000xi32, #tpu.memory_space<hbm>>
      %dma_start3A_57 = tpu.memref_slice %arg3[%mul3A_8] : memref<320000xi32, #tpu.memory_space<hbm>> -> memref<10000xi32, #tpu.memory_space<hbm>>
      tpu.enqueue_dma source(%dma_start3A_57 : memref<10000xi32, #tpu.memory_space<hbm>>) target(%arg7 : memref<10000xi32, #tpu.memory_space<vmem>>) target_semaphore(%run_scoped3A_55 : memref<!tpu.dma_semaphore, #tpu.memory_space<semaphore_mem>>)
      %dma_wait3A_58 = tpu.memref_slice %arg3[%mul3A_8] : memref<320000xi32, #tpu.memory_space<hbm>> -> memref<10000xi32, #tpu.memory_space<hbm>>
      %dma_wait3A_59 = tpu.memref_slice %arg3[%mul3A_8] : memref<320000xi32, #tpu.memory_space<hbm>> -> memref<10000xi32, #tpu.memory_space<hbm>>
      tpu.wait_dma2 semaphore(%run_scoped3A_55 : memref<!tpu.dma_semaphore, #tpu.memory_space<semaphore_mem>>) src(%dma_wait3A_59 : memref<10000xi32, #tpu.memory_space<hbm>>) dst(%arg7 : memref<10000xi32, #tpu.memory_space<vmem>>)
      tpu.yield
    }) : () -> ()
    "tpu.region"() ({
      %run_scoped3A_55 = tpu.sem_alloc : memref<!tpu.dma_semaphore, #tpu.memory_space<semaphore_mem>>
      %dma_start3A_56 = arith.constant 0 : i32
      %dma_start3A_57 = arith.constant 0 : i32
      %dma_start3A_58 = tpu.memref_slice %arg4[%add3A, %dma_start3A_56, %dma_start3A_57] : memref<32x125x80xi32, #tpu.memory_space<hbm>> -> memref<1x125x80xi32, #tpu.memory_space<hbm>>
      %dma_start3A_59 = tpu.memref_squeeze %dma_start3A_58 : memref<1x125x80xi32, #tpu.memory_space<hbm>> -> memref<125x80xi32, #tpu.memory_space<hbm>>
      %dma_start3A_60 = arith.constant 0 : i32
      %dma_start3A_61 = arith.constant 0 : i32
      %dma_start3A_62 = tpu.memref_slice %arg4[%add3A, %dma_start3A_60, %dma_start3A_61] : memref<32x125x80xi32, #tpu.memory_space<hbm>> -> memref<1x125x80xi32, #tpu.memory_space<hbm>>
      %dma_start3A_63 = tpu.memref_squeeze %dma_start3A_62 : memref<1x125x80xi32, #tpu.memory_space<hbm>> -> memref<125x80xi32, #tpu.memory_space<hbm>>
      tpu.enqueue_dma source(%dma_start3A_63 : memref<125x80xi32, #tpu.memory_space<hbm>>) target(%arg8 : memref<125x80xi32, #tpu.memory_space<vmem>>) target_semaphore(%run_scoped3A_55 : memref<!tpu.dma_semaphore, #tpu.memory_space<semaphore_mem>>)
      %dma_wait3A_64 = arith.constant 0 : i32
      %dma_wait3A_65 = arith.constant 0 : i32
      %dma_wait3A_66 = tpu.memref_slice %arg4[%add3A, %dma_wait3A_64, %dma_wait3A_65] : memref<32x125x80xi32, #tpu.memory_space<hbm>> -> memref<1x125x80xi32, #tpu.memory_space<hbm>>
      %dma_wait3A_67 = tpu.memref_squeeze %dma_wait3A_66 : memref<1x125x80xi32, #tpu.memory_space<hbm>> -> memref<125x80xi32, #tpu.memory_space<hbm>>
      %dma_wait3A_68 = arith.constant 0 : i32
      %dma_wait3A_69 = arith.constant 0 : i32
      %dma_wait3A_70 = tpu.memref_slice %arg4[%add3A, %dma_wait3A_68, %dma_wait3A_69] : memref<32x125x80xi32, #tpu.memory_space<hbm>> -> memref<1x125x80xi32, #tpu.memory_space<hbm>>
      %dma_wait3A_71 = tpu.memref_squeeze %dma_wait3A_70 : memref<1x125x80xi32, #tpu.memory_space<hbm>> -> memref<125x80xi32, #tpu.memory_space<hbm>>
      tpu.wait_dma2 semaphore(%run_scoped3A_55 : memref<!tpu.dma_semaphore, #tpu.memory_space<semaphore_mem>>) src(%dma_wait3A_71 : memref<125x80xi32, #tpu.memory_space<hbm>>) dst(%arg8 : memref<125x80xi32, #tpu.memory_space<vmem>>)
      tpu.yield
    }) : () -> ()
    %barrier3A = arith.constant 0 : index
    tpu.barrier barrier_id(%barrier3A)
    %dma_start3A = arith.constant 0 : i32
    %dma_start3A_9 = tpu.memref_slice %arg7[%dma_start3A] : memref<10000xi32, #tpu.memory_space<vmem>> -> memref<80xi32, #tpu.memory_space<vmem>>
    %dma_start3A_10 = arith.constant 0 : i32
    %dma_start3A_11 = arith.constant 0 : i32
    %dma_start3A_12 = tpu.memref_slice %arg2[%dma_start3A_10, %dma_start3A_11] : memref<10000x128xf32, #tpu.memory_space<hbm>> -> memref<10000x128xf32, #tpu.memory_space<hbm>>
    tpu.enqueue_indirect_dma source(%dma_start3A_12 : memref<10000x128xf32, #tpu.memory_space<hbm>>) target(%arg9 : memref<80x128xf32, #tpu.memory_space<vmem>>) offsets(%dma_start3A_9 : memref<80xi32, #tpu.memory_space<vmem>>) semaphore(%arg12 : memref<!tpu.dma_semaphore, #tpu.memory_space<semaphore_mem>>)
    %dma_wait3A = arith.constant 0 : i32
    %dma_wait3A_13 = tpu.memref_slice %arg7[%dma_wait3A] : memref<10000xi32, #tpu.memory_space<vmem>> -> memref<80xi32, #tpu.memory_space<vmem>>
    %dma_wait3A_14 = arith.constant 0 : i32
    %dma_wait3A_15 = arith.constant 0 : i32
    %dma_wait3A_16 = tpu.memref_slice %arg2[%dma_wait3A_14, %dma_wait3A_15] : memref<10000x128xf32, #tpu.memory_space<hbm>> -> memref<10000x128xf32, #tpu.memory_space<hbm>>
    tpu.wait_indirect_dma semaphore(%arg12 : memref<!tpu.dma_semaphore, #tpu.memory_space<semaphore_mem>>) src(%dma_wait3A_16 : memref<10000x128xf32, #tpu.memory_space<hbm>>) dst(%arg9 : memref<80x128xf32, #tpu.memory_space<vmem>>)
    %dma_start3A_17 = arith.constant 80 : i32
    %dma_start3A_18 = tpu.memref_slice %arg7[%dma_start3A_17] : memref<10000xi32, #tpu.memory_space<vmem>> -> memref<80xi32, #tpu.memory_space<vmem>>
    %dma_start3A_19 = arith.constant 0 : i32
    %dma_start3A_20 = arith.constant 0 : i32
    %dma_start3A_21 = tpu.memref_slice %arg2[%dma_start3A_19, %dma_start3A_20] : memref<10000x128xf32, #tpu.memory_space<hbm>> -> memref<10000x128xf32, #tpu.memory_space<hbm>>
    tpu.enqueue_indirect_dma source(%dma_start3A_21 : memref<10000x128xf32, #tpu.memory_space<hbm>>) target(%arg10 : memref<80x128xf32, #tpu.memory_space<vmem>>) offsets(%dma_start3A_18 : memref<80xi32, #tpu.memory_space<vmem>>) semaphore(%arg13 : memref<!tpu.dma_semaphore, #tpu.memory_space<semaphore_mem>>)
    %run_scoped3A = arith.constant 0 : i32
    "tpu.region"() ({
      %run_scoped3A_55 = tpu.sem_alloc : memref<!tpu.dma_semaphore, #tpu.memory_space<semaphore_mem>>
      %dma_start3A_56 = arith.constant 0 : i32
      %dma_start3A_57 = tpu.memref_slice %arg8[%run_scoped3A, %dma_start3A_56] : memref<125x80xi32, #tpu.memory_space<vmem>> -> memref<1x80xi32, #tpu.memory_space<vmem>>
      %dma_start3A_58 = tpu.memref_squeeze %dma_start3A_57 : memref<1x80xi32, #tpu.memory_space<vmem>> -> memref<80xi32, #tpu.memory_space<vmem>>
      %dma_start3A_59 = arith.constant 0 : i32
      %dma_start3A_60 = arith.constant 0 : i32
      %dma_start3A_61 = tpu.memref_slice %arg11[%dma_start3A_59, %dma_start3A_60] : memref<10000x128xf32, #tpu.memory_space<vmem_shared>> -> memref<10000x128xf32, #tpu.memory_space<vmem_shared>>
      tpu.enqueue_indirect_dma source(%arg9 : memref<80x128xf32, #tpu.memory_space<vmem>>) target(%dma_start3A_61 : memref<10000x128xf32, #tpu.memory_space<vmem_shared>>) offsets(%dma_start3A_58 : memref<80xi32, #tpu.memory_space<vmem>>) semaphore(%run_scoped3A_55 : memref<!tpu.dma_semaphore, #tpu.memory_space<semaphore_mem>>) {add = true}
      %dma_wait3A_62 = arith.constant 0 : i32
      %dma_wait3A_63 = tpu.memref_slice %arg8[%run_scoped3A, %dma_wait3A_62] : memref<125x80xi32, #tpu.memory_space<vmem>> -> memref<1x80xi32, #tpu.memory_space<vmem>>
      %dma_wait3A_64 = tpu.memref_squeeze %dma_wait3A_63 : memref<1x80xi32, #tpu.memory_space<vmem>> -> memref<80xi32, #tpu.memory_space<vmem>>
      %dma_wait3A_65 = arith.constant 0 : i32
      %dma_wait3A_66 = arith.constant 0 : i32
      %dma_wait3A_67 = tpu.memref_slice %arg11[%dma_wait3A_65, %dma_wait3A_66] : memref<10000x128xf32, #tpu.memory_space<vmem_shared>> -> memref<10000x128xf32, #tpu.memory_space<vmem_shared>>
      tpu.wait_indirect_dma semaphore(%run_scoped3A_55 : memref<!tpu.dma_semaphore, #tpu.memory_space<semaphore_mem>>) src(%arg9 : memref<80x128xf32, #tpu.memory_space<vmem>>) dst(%dma_wait3A_67 : memref<10000x128xf32, #tpu.memory_space<vmem_shared>>)
      tpu.yield
    }) : () -> ()
    %scan3A = arith.constant 0 : i32
    %scan3A_22 = arith.constant 0 : i32
    %scan3A_23 = arith.constant 61 : i32
    %scan3A_24 = arith.addi %scan3A_22, %scan3A_23 : i32
    %scan3A_25 = arith.constant 1 : i32
    scf.for %scan3A_55 = %scan3A_22 to %scan3A_24 step %scan3A_25  : i32 {
      %mul3A_56 = arith.constant 2 : i32
      %mul3A_57 = arith.muli %mul3A_56, %scan3A_55 : i32
      %add3A_58 = arith.constant 1 : i32
      %add3A_59 = arith.addi %mul3A_57, %add3A_58 : i32
      %add3A_60 = arith.constant 1 : i32
      %add3A_61 = arith.addi %add3A_59, %add3A_60 : i32
      %mul3A_62 = arith.constant 80 : i32
      %mul3A_63 = arith.muli %add3A_59, %mul3A_62 : i32
      %dma_wait3A_64 = tpu.memref_slice %arg7[%mul3A_63] : memref<10000xi32, #tpu.memory_space<vmem>> -> memref<80xi32, #tpu.memory_space<vmem>>
      %dma_wait3A_65 = arith.constant 0 : i32
      %dma_wait3A_66 = arith.constant 0 : i32
      %dma_wait3A_67 = tpu.memref_slice %arg2[%dma_wait3A_65, %dma_wait3A_66] : memref<10000x128xf32, #tpu.memory_space<hbm>> -> memref<10000x128xf32, #tpu.memory_space<hbm>>
      tpu.wait_indirect_dma semaphore(%arg13 : memref<!tpu.dma_semaphore, #tpu.memory_space<semaphore_mem>>) src(%dma_wait3A_67 : memref<10000x128xf32, #tpu.memory_space<hbm>>) dst(%arg10 : memref<80x128xf32, #tpu.memory_space<vmem>>)
      %mul3A_68 = arith.constant 80 : i32
      %mul3A_69 = arith.muli %add3A_61, %mul3A_68 : i32
      %dma_start3A_70 = tpu.memref_slice %arg7[%mul3A_69] : memref<10000xi32, #tpu.memory_space<vmem>> -> memref<80xi32, #tpu.memory_space<vmem>>
      %dma_start3A_71 = arith.constant 0 : i32
      %dma_start3A_72 = arith.constant 0 : i32
      %dma_start3A_73 = tpu.memref_slice %arg2[%dma_start3A_71, %dma_start3A_72] : memref<10000x128xf32, #tpu.memory_space<hbm>> -> memref<10000x128xf32, #tpu.memory_space<hbm>>
      tpu.enqueue_indirect_dma source(%dma_start3A_73 : memref<10000x128xf32, #tpu.memory_space<hbm>>) target(%arg9 : memref<80x128xf32, #tpu.memory_space<vmem>>) offsets(%dma_start3A_70 : memref<80xi32, #tpu.memory_space<vmem>>) semaphore(%arg12 : memref<!tpu.dma_semaphore, #tpu.memory_space<semaphore_mem>>)
      "tpu.region"() ({
        %run_scoped3A_88 = tpu.sem_alloc : memref<!tpu.dma_semaphore, #tpu.memory_space<semaphore_mem>>
        %dma_start3A_89 = arith.constant 0 : i32
        %dma_start3A_90 = tpu.memref_slice %arg8[%add3A_59, %dma_start3A_89] : memref<125x80xi32, #tpu.memory_space<vmem>> -> memref<1x80xi32, #tpu.memory_space<vmem>>
        %dma_start3A_91 = tpu.memref_squeeze %dma_start3A_90 : memref<1x80xi32, #tpu.memory_space<vmem>> -> memref<80xi32, #tpu.memory_space<vmem>>
        %dma_start3A_92 = arith.constant 0 : i32
        %dma_start3A_93 = arith.constant 0 : i32
        %dma_start3A_94 = tpu.memref_slice %arg11[%dma_start3A_92, %dma_start3A_93] : memref<10000x128xf32, #tpu.memory_space<vmem_shared>> -> memref<10000x128xf32, #tpu.memory_space<vmem_shared>>
        tpu.enqueue_indirect_dma source(%arg10 : memref<80x128xf32, #tpu.memory_space<vmem>>) target(%dma_start3A_94 : memref<10000x128xf32, #tpu.memory_space<vmem_shared>>) offsets(%dma_start3A_91 : memref<80xi32, #tpu.memory_space<vmem>>) semaphore(%run_scoped3A_88 : memref<!tpu.dma_semaphore, #tpu.memory_space<semaphore_mem>>) {add = true}
        %dma_wait3A_95 = arith.constant 0 : i32
        %dma_wait3A_96 = tpu.memref_slice %arg8[%add3A_59, %dma_wait3A_95] : memref<125x80xi32, #tpu.memory_space<vmem>> -> memref<1x80xi32, #tpu.memory_space<vmem>>
        %dma_wait3A_97 = tpu.memref_squeeze %dma_wait3A_96 : memref<1x80xi32, #tpu.memory_space<vmem>> -> memref<80xi32, #tpu.memory_space<vmem>>
        %dma_wait3A_98 = arith.constant 0 : i32
        %dma_wait3A_99 = arith.constant 0 : i32
        %dma_wait3A_100 = tpu.memref_slice %arg11[%dma_wait3A_98, %dma_wait3A_99] : memref<10000x128xf32, #tpu.memory_space<vmem_shared>> -> memref<10000x128xf32, #tpu.memory_space<vmem_shared>>
        tpu.wait_indirect_dma semaphore(%run_scoped3A_88 : memref<!tpu.dma_semaphore, #tpu.memory_space<semaphore_mem>>) src(%arg10 : memref<80x128xf32, #tpu.memory_space<vmem>>) dst(%dma_wait3A_100 : memref<10000x128xf32, #tpu.memory_space<vmem_shared>>)
        tpu.yield
      }) : () -> ()
      %mul3A_74 = arith.constant 80 : i32
      %mul3A_75 = arith.muli %add3A_61, %mul3A_74 : i32
      %dma_wait3A_76 = tpu.memref_slice %arg7[%mul3A_75] : memref<10000xi32, #tpu.memory_space<vmem>> -> memref<80xi32, #tpu.memory_space<vmem>>
      %dma_wait3A_77 = arith.constant 0 : i32
      %dma_wait3A_78 = arith.constant 0 : i32
      %dma_wait3A_79 = tpu.memref_slice %arg2[%dma_wait3A_77, %dma_wait3A_78] : memref<10000x128xf32, #tpu.memory_space<hbm>> -> memref<10000x128xf32, #tpu.memory_space<hbm>>
      tpu.wait_indirect_dma semaphore(%arg12 : memref<!tpu.dma_semaphore, #tpu.memory_space<semaphore_mem>>) src(%dma_wait3A_79 : memref<10000x128xf32, #tpu.memory_space<hbm>>) dst(%arg9 : memref<80x128xf32, #tpu.memory_space<vmem>>)
      %add3A_80 = arith.constant 1 : i32
      %add3A_81 = arith.addi %add3A_61, %add3A_80 : i32
      %mul3A_82 = arith.constant 80 : i32
      %mul3A_83 = arith.muli %add3A_81, %mul3A_82 : i32
      %dma_start3A_84 = tpu.memref_slice %arg7[%mul3A_83] : memref<10000xi32, #tpu.memory_space<vmem>> -> memref<80xi32, #tpu.memory_space<vmem>>
      %dma_start3A_85 = arith.constant 0 : i32
      %dma_start3A_86 = arith.constant 0 : i32
      %dma_start3A_87 = tpu.memref_slice %arg2[%dma_start3A_85, %dma_start3A_86] : memref<10000x128xf32, #tpu.memory_space<hbm>> -> memref<10000x128xf32, #tpu.memory_space<hbm>>
      tpu.enqueue_indirect_dma source(%dma_start3A_87 : memref<10000x128xf32, #tpu.memory_space<hbm>>) target(%arg10 : memref<80x128xf32, #tpu.memory_space<vmem>>) offsets(%dma_start3A_84 : memref<80xi32, #tpu.memory_space<vmem>>) semaphore(%arg13 : memref<!tpu.dma_semaphore, #tpu.memory_space<semaphore_mem>>)
      "tpu.region"() ({
        %run_scoped3A_88 = tpu.sem_alloc : memref<!tpu.dma_semaphore, #tpu.memory_space<semaphore_mem>>
        %dma_start3A_89 = arith.constant 0 : i32
        %dma_start3A_90 = tpu.memref_slice %arg8[%add3A_61, %dma_start3A_89] : memref<125x80xi32, #tpu.memory_space<vmem>> -> memref<1x80xi32, #tpu.memory_space<vmem>>
        %dma_start3A_91 = tpu.memref_squeeze %dma_start3A_90 : memref<1x80xi32, #tpu.memory_space<vmem>> -> memref<80xi32, #tpu.memory_space<vmem>>
        %dma_start3A_92 = arith.constant 0 : i32
        %dma_start3A_93 = arith.constant 0 : i32
        %dma_start3A_94 = tpu.memref_slice %arg11[%dma_start3A_92, %dma_start3A_93] : memref<10000x128xf32, #tpu.memory_space<vmem_shared>> -> memref<10000x128xf32, #tpu.memory_space<vmem_shared>>
        tpu.enqueue_indirect_dma source(%arg9 : memref<80x128xf32, #tpu.memory_space<vmem>>) target(%dma_start3A_94 : memref<10000x128xf32, #tpu.memory_space<vmem_shared>>) offsets(%dma_start3A_91 : memref<80xi32, #tpu.memory_space<vmem>>) semaphore(%run_scoped3A_88 : memref<!tpu.dma_semaphore, #tpu.memory_space<semaphore_mem>>) {add = true}
        %dma_wait3A_95 = arith.constant 0 : i32
        %dma_wait3A_96 = tpu.memref_slice %arg8[%add3A_61, %dma_wait3A_95] : memref<125x80xi32, #tpu.memory_space<vmem>> -> memref<1x80xi32, #tpu.memory_space<vmem>>
        %dma_wait3A_97 = tpu.memref_squeeze %dma_wait3A_96 : memref<1x80xi32, #tpu.memory_space<vmem>> -> memref<80xi32, #tpu.memory_space<vmem>>
        %dma_wait3A_98 = arith.constant 0 : i32
        %dma_wait3A_99 = arith.constant 0 : i32
        %dma_wait3A_100 = tpu.memref_slice %arg11[%dma_wait3A_98, %dma_wait3A_99] : memref<10000x128xf32, #tpu.memory_space<vmem_shared>> -> memref<10000x128xf32, #tpu.memory_space<vmem_shared>>
        tpu.wait_indirect_dma semaphore(%run_scoped3A_88 : memref<!tpu.dma_semaphore, #tpu.memory_space<semaphore_mem>>) src(%arg9 : memref<80x128xf32, #tpu.memory_space<vmem>>) dst(%dma_wait3A_100 : memref<10000x128xf32, #tpu.memory_space<vmem_shared>>)
        tpu.yield
      }) : () -> ()
    }
    %scan3A_26 = arith.constant 61 : i32
    %dma_wait3A_27 = arith.constant 9840 : i32
    %dma_wait3A_28 = tpu.memref_slice %arg7[%dma_wait3A_27] : memref<10000xi32, #tpu.memory_space<vmem>> -> memref<80xi32, #tpu.memory_space<vmem>>
    %dma_wait3A_29 = arith.constant 0 : i32
    %dma_wait3A_30 = arith.constant 0 : i32
    %dma_wait3A_31 = tpu.memref_slice %arg2[%dma_wait3A_29, %dma_wait3A_30] : memref<10000x128xf32, #tpu.memory_space<hbm>> -> memref<10000x128xf32, #tpu.memory_space<hbm>>
    tpu.wait_indirect_dma semaphore(%arg13 : memref<!tpu.dma_semaphore, #tpu.memory_space<semaphore_mem>>) src(%dma_wait3A_31 : memref<10000x128xf32, #tpu.memory_space<hbm>>) dst(%arg10 : memref<80x128xf32, #tpu.memory_space<vmem>>)
    %dma_start3A_32 = arith.constant 9920 : i32
    %dma_start3A_33 = tpu.memref_slice %arg7[%dma_start3A_32] : memref<10000xi32, #tpu.memory_space<vmem>> -> memref<80xi32, #tpu.memory_space<vmem>>
    %dma_start3A_34 = arith.constant 0 : i32
    %dma_start3A_35 = arith.constant 0 : i32
    %dma_start3A_36 = tpu.memref_slice %arg2[%dma_start3A_34, %dma_start3A_35] : memref<10000x128xf32, #tpu.memory_space<hbm>> -> memref<10000x128xf32, #tpu.memory_space<hbm>>
    tpu.enqueue_indirect_dma source(%dma_start3A_36 : memref<10000x128xf32, #tpu.memory_space<hbm>>) target(%arg9 : memref<80x128xf32, #tpu.memory_space<vmem>>) offsets(%dma_start3A_33 : memref<80xi32, #tpu.memory_space<vmem>>) semaphore(%arg12 : memref<!tpu.dma_semaphore, #tpu.memory_space<semaphore_mem>>)
    %run_scoped3A_37 = arith.constant 123 : i32
    "tpu.region"() ({
      %run_scoped3A_55 = tpu.sem_alloc : memref<!tpu.dma_semaphore, #tpu.memory_space<semaphore_mem>>
      %dma_start3A_56 = arith.constant 0 : i32
      %dma_start3A_57 = tpu.memref_slice %arg8[%run_scoped3A_37, %dma_start3A_56] : memref<125x80xi32, #tpu.memory_space<vmem>> -> memref<1x80xi32, #tpu.memory_space<vmem>>
      %dma_start3A_58 = tpu.memref_squeeze %dma_start3A_57 : memref<1x80xi32, #tpu.memory_space<vmem>> -> memref<80xi32, #tpu.memory_space<vmem>>
      %dma_start3A_59 = arith.constant 0 : i32
      %dma_start3A_60 = arith.constant 0 : i32
      %dma_start3A_61 = tpu.memref_slice %arg11[%dma_start3A_59, %dma_start3A_60] : memref<10000x128xf32, #tpu.memory_space<vmem_shared>> -> memref<10000x128xf32, #tpu.memory_space<vmem_shared>>
      tpu.enqueue_indirect_dma source(%arg10 : memref<80x128xf32, #tpu.memory_space<vmem>>) target(%dma_start3A_61 : memref<10000x128xf32, #tpu.memory_space<vmem_shared>>) offsets(%dma_start3A_58 : memref<80xi32, #tpu.memory_space<vmem>>) semaphore(%run_scoped3A_55 : memref<!tpu.dma_semaphore, #tpu.memory_space<semaphore_mem>>) {add = true}
      %dma_wait3A_62 = arith.constant 0 : i32
      %dma_wait3A_63 = tpu.memref_slice %arg8[%run_scoped3A_37, %dma_wait3A_62] : memref<125x80xi32, #tpu.memory_space<vmem>> -> memref<1x80xi32, #tpu.memory_space<vmem>>
      %dma_wait3A_64 = tpu.memref_squeeze %dma_wait3A_63 : memref<1x80xi32, #tpu.memory_space<vmem>> -> memref<80xi32, #tpu.memory_space<vmem>>
      %dma_wait3A_65 = arith.constant 0 : i32
      %dma_wait3A_66 = arith.constant 0 : i32
      %dma_wait3A_67 = tpu.memref_slice %arg11[%dma_wait3A_65, %dma_wait3A_66] : memref<10000x128xf32, #tpu.memory_space<vmem_shared>> -> memref<10000x128xf32, #tpu.memory_space<vmem_shared>>
      tpu.wait_indirect_dma semaphore(%run_scoped3A_55 : memref<!tpu.dma_semaphore, #tpu.memory_space<semaphore_mem>>) src(%arg10 : memref<80x128xf32, #tpu.memory_space<vmem>>) dst(%dma_wait3A_67 : memref<10000x128xf32, #tpu.memory_space<vmem_shared>>)
      tpu.yield
    }) : () -> ()
    %dma_wait3A_38 = arith.constant 9920 : i32
    %dma_wait3A_39 = tpu.memref_slice %arg7[%dma_wait3A_38] : memref<10000xi32, #tpu.memory_space<vmem>> -> memref<80xi32, #tpu.memory_space<vmem>>
    %dma_wait3A_40 = arith.constant 0 : i32
    %dma_wait3A_41 = arith.constant 0 : i32
    %dma_wait3A_42 = tpu.memref_slice %arg2[%dma_wait3A_40, %dma_wait3A_41] : memref<10000x128xf32, #tpu.memory_space<hbm>> -> memref<10000x128xf32, #tpu.memory_space<hbm>>
    tpu.wait_indirect_dma semaphore(%arg12 : memref<!tpu.dma_semaphore, #tpu.memory_space<semaphore_mem>>) src(%dma_wait3A_42 : memref<10000x128xf32, #tpu.memory_space<hbm>>) dst(%arg9 : memref<80x128xf32, #tpu.memory_space<vmem>>)
    %run_scoped3A_43 = arith.constant 124 : i32
    "tpu.region"() ({
      %run_scoped3A_55 = tpu.sem_alloc : memref<!tpu.dma_semaphore, #tpu.memory_space<semaphore_mem>>
      %dma_start3A_56 = arith.constant 0 : i32
      %dma_start3A_57 = tpu.memref_slice %arg8[%run_scoped3A_43, %dma_start3A_56] : memref<125x80xi32, #tpu.memory_space<vmem>> -> memref<1x80xi32, #tpu.memory_space<vmem>>
      %dma_start3A_58 = tpu.memref_squeeze %dma_start3A_57 : memref<1x80xi32, #tpu.memory_space<vmem>> -> memref<80xi32, #tpu.memory_space<vmem>>
      %dma_start3A_59 = arith.constant 0 : i32
      %dma_start3A_60 = arith.constant 0 : i32
      %dma_start3A_61 = tpu.memref_slice %arg11[%dma_start3A_59, %dma_start3A_60] : memref<10000x128xf32, #tpu.memory_space<vmem_shared>> -> memref<10000x128xf32, #tpu.memory_space<vmem_shared>>
      tpu.enqueue_indirect_dma source(%arg9 : memref<80x128xf32, #tpu.memory_space<vmem>>) target(%dma_start3A_61 : memref<10000x128xf32, #tpu.memory_space<vmem_shared>>) offsets(%dma_start3A_58 : memref<80xi32, #tpu.memory_space<vmem>>) semaphore(%run_scoped3A_55 : memref<!tpu.dma_semaphore, #tpu.memory_space<semaphore_mem>>) {add = true}
      %dma_wait3A_62 = arith.constant 0 : i32
      %dma_wait3A_63 = tpu.memref_slice %arg8[%run_scoped3A_43, %dma_wait3A_62] : memref<125x80xi32, #tpu.memory_space<vmem>> -> memref<1x80xi32, #tpu.memory_space<vmem>>
      %dma_wait3A_64 = tpu.memref_squeeze %dma_wait3A_63 : memref<1x80xi32, #tpu.memory_space<vmem>> -> memref<80xi32, #tpu.memory_space<vmem>>
      %dma_wait3A_65 = arith.constant 0 : i32
      %dma_wait3A_66 = arith.constant 0 : i32
      %dma_wait3A_67 = tpu.memref_slice %arg11[%dma_wait3A_65, %dma_wait3A_66] : memref<10000x128xf32, #tpu.memory_space<vmem_shared>> -> memref<10000x128xf32, #tpu.memory_space<vmem_shared>>
      tpu.wait_indirect_dma semaphore(%run_scoped3A_55 : memref<!tpu.dma_semaphore, #tpu.memory_space<semaphore_mem>>) src(%arg9 : memref<80x128xf32, #tpu.memory_space<vmem>>) dst(%dma_wait3A_67 : memref<10000x128xf32, #tpu.memory_space<vmem_shared>>)
      tpu.yield
    }) : () -> ()
    %barrier3A_44 = arith.constant 0 : index
    tpu.barrier barrier_id(%barrier3A_44)
    %lt3A_45 = arith.constant 15 : i32
    %lt3A_46 = arith.cmpi slt, %arg1, %lt3A_45 : i32
    %convert_element_type3A_47 = arith.extui %lt3A_46 : i1 to i32
    %cond3A_48 = arith.constant 0 : i32
    %cond3A_49 = arith.cmpi ne, %convert_element_type3A_47, %cond3A_48 : i32
    scf.if %cond3A_49 {
      %mul3A_55 = arith.constant 624 : i32
      %mul3A_56 = arith.muli %arg1, %mul3A_55 : i32
      %mul3A_57 = arith.constant 624 : i32
      %mul3A_58 = arith.muli %arg1, %mul3A_57 : i32
      "tpu.region"() ({
        %run_scoped3A_59 = tpu.sem_alloc : memref<!tpu.dma_semaphore, #tpu.memory_space<semaphore_mem>>
        %dma_start3A_60 = arith.constant 0 : i32
        %dma_start3A_61 = tpu.memref_slice %arg6[%arg0, %mul3A_58, %dma_start3A_60] : memref<2x10000x128xf32, #tpu.memory_space<hbm>> -> memref<1x624x128xf32, #tpu.memory_space<hbm>>
        %dma_start3A_62 = tpu.memref_squeeze %dma_start3A_61 : memref<1x624x128xf32, #tpu.memory_space<hbm>> -> memref<624x128xf32, #tpu.memory_space<hbm>>
        %dma_start3A_63 = arith.constant 0 : i32
        %dma_start3A_64 = tpu.memref_slice %arg11[%mul3A_56, %dma_start3A_63] : memref<10000x128xf32, #tpu.memory_space<vmem_shared>> -> memref<624x128xf32, #tpu.memory_space<vmem_shared>>
        tpu.enqueue_dma source(%dma_start3A_64 : memref<624x128xf32, #tpu.memory_space<vmem_shared>>) target(%dma_start3A_62 : memref<624x128xf32, #tpu.memory_space<hbm>>) target_semaphore(%run_scoped3A_59 : memref<!tpu.dma_semaphore, #tpu.memory_space<semaphore_mem>>)
        %dma_wait3A_65 = arith.constant 0 : i32
        %dma_wait3A_66 = tpu.memref_slice %arg6[%arg0, %mul3A_58, %dma_wait3A_65] : memref<2x10000x128xf32, #tpu.memory_space<hbm>> -> memref<1x624x128xf32, #tpu.memory_space<hbm>>
        %dma_wait3A_67 = tpu.memref_squeeze %dma_wait3A_66 : memref<1x624x128xf32, #tpu.memory_space<hbm>> -> memref<624x128xf32, #tpu.memory_space<hbm>>
        %dma_wait3A_68 = arith.constant 0 : i32
        %dma_wait3A_69 = tpu.memref_slice %arg11[%mul3A_56, %dma_wait3A_68] : memref<10000x128xf32, #tpu.memory_space<vmem_shared>> -> memref<624x128xf32, #tpu.memory_space<vmem_shared>>
        tpu.wait_dma2 semaphore(%run_scoped3A_59 : memref<!tpu.dma_semaphore, #tpu.memory_space<semaphore_mem>>) src(%dma_wait3A_69 : memref<624x128xf32, #tpu.memory_space<vmem_shared>>) dst(%dma_wait3A_67 : memref<624x128xf32, #tpu.memory_space<hbm>>)
        tpu.yield
      }) : () -> ()
    } else {
    }
    %eq3A_50 = arith.constant 15 : i32
    %eq3A_51 = arith.cmpi eq, %arg1, %eq3A_50 : i32
    %convert_element_type3A_52 = arith.extui %eq3A_51 : i1 to i32
    %cond3A_53 = arith.constant 0 : i32
    %cond3A_54 = arith.cmpi ne, %convert_element_type3A_52, %cond3A_53 : i32
    scf.if %cond3A_54 {
      "tpu.region"() ({
        %run_scoped3A_55 = tpu.sem_alloc : memref<!tpu.dma_semaphore, #tpu.memory_space<semaphore_mem>>
        %dma_start3A_56 = arith.constant 9360 : i32
        %dma_start3A_57 = arith.constant 0 : i32
        %dma_start3A_58 = tpu.memref_slice %arg6[%arg0, %dma_start3A_56, %dma_start3A_57] : memref<2x10000x128xf32, #tpu.memory_space<hbm>> -> memref<1x640x128xf32, #tpu.memory_space<hbm>>
        %dma_start3A_59 = tpu.memref_squeeze %dma_start3A_58 : memref<1x640x128xf32, #tpu.memory_space<hbm>> -> memref<640x128xf32, #tpu.memory_space<hbm>>
        %dma_start3A_60 = arith.constant 9360 : i32
        %dma_start3A_61 = arith.constant 0 : i32
        %dma_start3A_62 = tpu.memref_slice %arg11[%dma_start3A_60, %dma_start3A_61] : memref<10000x128xf32, #tpu.memory_space<vmem_shared>> -> memref<640x128xf32, #tpu.memory_space<vmem_shared>>
        tpu.enqueue_dma source(%dma_start3A_62 : memref<640x128xf32, #tpu.memory_space<vmem_shared>>) target(%dma_start3A_59 : memref<640x128xf32, #tpu.memory_space<hbm>>) target_semaphore(%run_scoped3A_55 : memref<!tpu.dma_semaphore, #tpu.memory_space<semaphore_mem>>)
        %dma_wait3A_63 = arith.constant 9360 : i32
        %dma_wait3A_64 = arith.constant 0 : i32
        %dma_wait3A_65 = tpu.memref_slice %arg6[%arg0, %dma_wait3A_63, %dma_wait3A_64] : memref<2x10000x128xf32, #tpu.memory_space<hbm>> -> memref<1x640x128xf32, #tpu.memory_space<hbm>>
        %dma_wait3A_66 = tpu.memref_squeeze %dma_wait3A_65 : memref<1x640x128xf32, #tpu.memory_space<hbm>> -> memref<640x128xf32, #tpu.memory_space<hbm>>
        %dma_wait3A_67 = arith.constant 9360 : i32
        %dma_wait3A_68 = arith.constant 0 : i32
        %dma_wait3A_69 = tpu.memref_slice %arg11[%dma_wait3A_67, %dma_wait3A_68] : memref<10000x128xf32, #tpu.memory_space<vmem_shared>> -> memref<640x128xf32, #tpu.memory_space<vmem_shared>>
        tpu.wait_dma2 semaphore(%run_scoped3A_55 : memref<!tpu.dma_semaphore, #tpu.memory_space<semaphore_mem>>) src(%dma_wait3A_69 : memref<640x128xf32, #tpu.memory_space<vmem_shared>>) dst(%dma_wait3A_66 : memref<640x128xf32, #tpu.memory_space<hbm>>)
        tpu.yield
      }) : () -> ()
    } else {
    }
    return
  }
}

#map = affine_map<(d0, d1) -> (0, 0)>
#map1 = affine_map<(d0, d1) -> (0)>
#map2 = affine_map<(d0, d1) -> (0, 0, 0)>
module attributes {stable_mosaic.version = 14 : i64} {
  func.func @_agg_body(%arg0: i32, %arg1: i32, %arg2: memref<10000x128xf32, #tpu.memory_space<hbm>>, %arg3: memref<320000xi32, #tpu.memory_space<hbm>>, %arg4: memref<32x125x80xi32, #tpu.memory_space<hbm>>, %arg5: memref<640x128xf32, #tpu.memory_space<hbm>>, %arg6: memref<2x10000x128xf32, #tpu.memory_space<hbm>>, %arg7: memref<10000xi32, #tpu.memory_space<vmem>>, %arg8: memref<125x80xi32, #tpu.memory_space<vmem>>, %arg9: memref<80x128xf32, #tpu.memory_space<vmem>>, %arg10: memref<80x128xf32, #tpu.memory_space<vmem>>, %arg11: memref<10000x128xf32, #tpu.memory_space<vmem_shared>>, %arg12: memref<!tpu.dma_semaphore, #tpu.memory_space<semaphore_mem>>, %arg13: memref<!tpu.dma_semaphore, #tpu.memory_space<semaphore_mem>>) attributes {dimension_semantics = [#tpu.dimension_semantics<core_parallel>, #tpu.dimension_semantics<subcore_parallel>], iteration_bounds = array<i64: 2, 16>, scalar_prefetch = 0 : i64, scratch_operands = 7 : i64, tpu.core_type = #tpu.core_type<sc_vector_subcore>, window_params = [{transform_indices = #map}, {transform_indices = #map1}, {transform_indices = #map2}, {transform_indices = #map}, {transform_indices = #map2}]} {
    %mul3A = arith.constant 2 : i32
    %mul3A_0 = arith.muli %arg1, %mul3A : i32
    %add3A = arith.addi %mul3A_0, %arg0 : i32
    %lt3A = arith.constant 15 : i32
    %lt3A_1 = arith.cmpi slt, %arg1, %lt3A : i32
    %convert_element_type3A = arith.extui %lt3A_1 : i1 to i32
    %cond3A = arith.constant 0 : i32
    %cond3A_2 = arith.cmpi ne, %convert_element_type3A, %cond3A : i32
    scf.if %cond3A_2 {
      %mul3A_55 = arith.constant 624 : i32
      %mul3A_56 = arith.muli %arg1, %mul3A_55 : i32
      %mul3A_57 = arith.constant 624 : i32
      %mul3A_58 = arith.muli %arg1, %mul3A_57 : i32
      "tpu.region"() ({
        %run_scoped3A_59 = tpu.sem_alloc : memref<!tpu.dma_semaphore, #tpu.memory_space<semaphore_mem>>
        %dma_start3A_60 = arith.constant 0 : i32
        %dma_start3A_61 = tpu.memref_slice %arg11[%mul3A_58, %dma_start3A_60] : memref<10000x128xf32, #tpu.memory_space<vmem_shared>> -> memref<624x128xf32, #tpu.memory_space<vmem_shared>>
        %dma_start3A_62 = arith.constant 0 : i32
        %dma_start3A_63 = arith.constant 0 : i32
        %dma_start3A_64 = tpu.memref_slice %arg5[%dma_start3A_62, %dma_start3A_63] : memref<640x128xf32, #tpu.memory_space<hbm>> -> memref<624x128xf32, #tpu.memory_space<hbm>>
        tpu.enqueue_dma source(%dma_start3A_64 : memref<624x128xf32, #tpu.memory_space<hbm>>) target(%dma_start3A_61 : memref<624x128xf32, #tpu.memory_space<vmem_shared>>) target_semaphore(%run_scoped3A_59 : memref<!tpu.dma_semaphore, #tpu.memory_space<semaphore_mem>>)
        %dma_wait3A_65 = arith.constant 0 : i32
        %dma_wait3A_66 = tpu.memref_slice %arg11[%mul3A_58, %dma_wait3A_65] : memref<10000x128xf32, #tpu.memory_space<vmem_shared>> -> memref<624x128xf32, #tpu.memory_space<vmem_shared>>
        %dma_wait3A_67 = arith.constant 0 : i32
        %dma_wait3A_68 = arith.constant 0 : i32
        %dma_wait3A_69 = tpu.memref_slice %arg5[%dma_wait3A_67, %dma_wait3A_68] : memref<640x128xf32, #tpu.memory_space<hbm>> -> memref<624x128xf32, #tpu.memory_space<hbm>>
        tpu.wait_dma2 semaphore(%run_scoped3A_59 : memref<!tpu.dma_semaphore, #tpu.memory_space<semaphore_mem>>) src(%dma_wait3A_69 : memref<624x128xf32, #tpu.memory_space<hbm>>) dst(%dma_wait3A_66 : memref<624x128xf32, #tpu.memory_space<vmem_shared>>)
        tpu.yield
      }) : () -> ()
    } else {
    }
    %eq3A = arith.constant 15 : i32
    %eq3A_3 = arith.cmpi eq, %arg1, %eq3A : i32
    %convert_element_type3A_4 = arith.extui %eq3A_3 : i1 to i32
    %cond3A_5 = arith.constant 0 : i32
    %cond3A_6 = arith.cmpi ne, %convert_element_type3A_4, %cond3A_5 : i32
    scf.if %cond3A_6 {
      "tpu.region"() ({
        %run_scoped3A_55 = tpu.sem_alloc : memref<!tpu.dma_semaphore, #tpu.memory_space<semaphore_mem>>
        %dma_start3A_56 = arith.constant 9360 : i32
        %dma_start3A_57 = arith.constant 0 : i32
        %dma_start3A_58 = tpu.memref_slice %arg11[%dma_start3A_56, %dma_start3A_57] : memref<10000x128xf32, #tpu.memory_space<vmem_shared>> -> memref<640x128xf32, #tpu.memory_space<vmem_shared>>
        %dma_start3A_59 = arith.constant 0 : i32
        %dma_start3A_60 = arith.constant 0 : i32
        %dma_start3A_61 = tpu.memref_slice %arg5[%dma_start3A_59, %dma_start3A_60] : memref<640x128xf32, #tpu.memory_space<hbm>> -> memref<640x128xf32, #tpu.memory_space<hbm>>
        tpu.enqueue_dma source(%dma_start3A_61 : memref<640x128xf32, #tpu.memory_space<hbm>>) target(%dma_start3A_58 : memref<640x128xf32, #tpu.memory_space<vmem_shared>>) target_semaphore(%run_scoped3A_55 : memref<!tpu.dma_semaphore, #tpu.memory_space<semaphore_mem>>)
        %dma_wait3A_62 = arith.constant 9360 : i32
        %dma_wait3A_63 = arith.constant 0 : i32
        %dma_wait3A_64 = tpu.memref_slice %arg11[%dma_wait3A_62, %dma_wait3A_63] : memref<10000x128xf32, #tpu.memory_space<vmem_shared>> -> memref<640x128xf32, #tpu.memory_space<vmem_shared>>
        %dma_wait3A_65 = arith.constant 0 : i32
        %dma_wait3A_66 = arith.constant 0 : i32
        %dma_wait3A_67 = tpu.memref_slice %arg5[%dma_wait3A_65, %dma_wait3A_66] : memref<640x128xf32, #tpu.memory_space<hbm>> -> memref<640x128xf32, #tpu.memory_space<hbm>>
        tpu.wait_dma2 semaphore(%run_scoped3A_55 : memref<!tpu.dma_semaphore, #tpu.memory_space<semaphore_mem>>) src(%dma_wait3A_67 : memref<640x128xf32, #tpu.memory_space<hbm>>) dst(%dma_wait3A_64 : memref<640x128xf32, #tpu.memory_space<vmem_shared>>)
        tpu.yield
      }) : () -> ()
    } else {
    }
    %mul3A_7 = arith.constant 10000 : i32
    %mul3A_8 = arith.muli %add3A, %mul3A_7 : i32
    "tpu.region"() ({
      %run_scoped3A_55 = tpu.sem_alloc : memref<!tpu.dma_semaphore, #tpu.memory_space<semaphore_mem>>
      %dma_start3A_56 = tpu.memref_slice %arg3[%mul3A_8] : memref<320000xi32, #tpu.memory_space<hbm>> -> memref<10000xi32, #tpu.memory_space<hbm>>
      %dma_start3A_57 = tpu.memref_slice %arg3[%mul3A_8] : memref<320000xi32, #tpu.memory_space<hbm>> -> memref<10000xi32, #tpu.memory_space<hbm>>
      tpu.enqueue_dma source(%dma_start3A_57 : memref<10000xi32, #tpu.memory_space<hbm>>) target(%arg7 : memref<10000xi32, #tpu.memory_space<vmem>>) target_semaphore(%run_scoped3A_55 : memref<!tpu.dma_semaphore, #tpu.memory_space<semaphore_mem>>)
      %dma_wait3A_58 = tpu.memref_slice %arg3[%mul3A_8] : memref<320000xi32, #tpu.memory_space<hbm>> -> memref<10000xi32, #tpu.memory_space<hbm>>
      %dma_wait3A_59 = tpu.memref_slice %arg3[%mul3A_8] : memref<320000xi32, #tpu.memory_space<hbm>> -> memref<10000xi32, #tpu.memory_space<hbm>>
      tpu.wait_dma2 semaphore(%run_scoped3A_55 : memref<!tpu.dma_semaphore, #tpu.memory_space<semaphore_mem>>) src(%dma_wait3A_59 : memref<10000xi32, #tpu.memory_space<hbm>>) dst(%arg7 : memref<10000xi32, #tpu.memory_space<vmem>>)
      tpu.yield
    }) : () -> ()
    "tpu.region"() ({
      %run_scoped3A_55 = tpu.sem_alloc : memref<!tpu.dma_semaphore, #tpu.memory_space<semaphore_mem>>
      %dma_start3A_56 = arith.constant 0 : i32
      %dma_start3A_57 = arith.constant 0 : i32
      %dma_start3A_58 = tpu.memref_slice %arg4[%add3A, %dma_start3A_56, %dma_start3A_57] : memref<32x125x80xi32, #tpu.memory_space<hbm>> -> memref<1x125x80xi32, #tpu.memory_space<hbm>>
      %dma_start3A_59 = tpu.memref_squeeze %dma_start3A_58 : memref<1x125x80xi32, #tpu.memory_space<hbm>> -> memref<125x80xi32, #tpu.memory_space<hbm>>
      %dma_start3A_60 = arith.constant 0 : i32
      %dma_start3A_61 = arith.constant 0 : i32
      %dma_start3A_62 = tpu.memref_slice %arg4[%add3A, %dma_start3A_60, %dma_start3A_61] : memref<32x125x80xi32, #tpu.memory_space<hbm>> -> memref<1x125x80xi32, #tpu.memory_space<hbm>>
      %dma_start3A_63 = tpu.memref_squeeze %dma_start3A_62 : memref<1x125x80xi32, #tpu.memory_space<hbm>> -> memref<125x80xi32, #tpu.memory_space<hbm>>
      tpu.enqueue_dma source(%dma_start3A_63 : memref<125x80xi32, #tpu.memory_space<hbm>>) target(%arg8 : memref<125x80xi32, #tpu.memory_space<vmem>>) target_semaphore(%run_scoped3A_55 : memref<!tpu.dma_semaphore, #tpu.memory_space<semaphore_mem>>)
      %dma_wait3A_64 = arith.constant 0 : i32
      %dma_wait3A_65 = arith.constant 0 : i32
      %dma_wait3A_66 = tpu.memref_slice %arg4[%add3A, %dma_wait3A_64, %dma_wait3A_65] : memref<32x125x80xi32, #tpu.memory_space<hbm>> -> memref<1x125x80xi32, #tpu.memory_space<hbm>>
      %dma_wait3A_67 = tpu.memref_squeeze %dma_wait3A_66 : memref<1x125x80xi32, #tpu.memory_space<hbm>> -> memref<125x80xi32, #tpu.memory_space<hbm>>
      %dma_wait3A_68 = arith.constant 0 : i32
      %dma_wait3A_69 = arith.constant 0 : i32
      %dma_wait3A_70 = tpu.memref_slice %arg4[%add3A, %dma_wait3A_68, %dma_wait3A_69] : memref<32x125x80xi32, #tpu.memory_space<hbm>> -> memref<1x125x80xi32, #tpu.memory_space<hbm>>
      %dma_wait3A_71 = tpu.memref_squeeze %dma_wait3A_70 : memref<1x125x80xi32, #tpu.memory_space<hbm>> -> memref<125x80xi32, #tpu.memory_space<hbm>>
      tpu.wait_dma2 semaphore(%run_scoped3A_55 : memref<!tpu.dma_semaphore, #tpu.memory_space<semaphore_mem>>) src(%dma_wait3A_71 : memref<125x80xi32, #tpu.memory_space<hbm>>) dst(%arg8 : memref<125x80xi32, #tpu.memory_space<vmem>>)
      tpu.yield
    }) : () -> ()
    %barrier3A = arith.constant 0 : index
    tpu.barrier barrier_id(%barrier3A)
    %dma_start3A = arith.constant 0 : i32
    %dma_start3A_9 = tpu.memref_slice %arg7[%dma_start3A] : memref<10000xi32, #tpu.memory_space<vmem>> -> memref<80xi32, #tpu.memory_space<vmem>>
    %dma_start3A_10 = arith.constant 0 : i32
    %dma_start3A_11 = arith.constant 0 : i32
    %dma_start3A_12 = tpu.memref_slice %arg2[%dma_start3A_10, %dma_start3A_11] : memref<10000x128xf32, #tpu.memory_space<hbm>> -> memref<10000x128xf32, #tpu.memory_space<hbm>>
    tpu.enqueue_indirect_dma source(%dma_start3A_12 : memref<10000x128xf32, #tpu.memory_space<hbm>>) target(%arg9 : memref<80x128xf32, #tpu.memory_space<vmem>>) offsets(%dma_start3A_9 : memref<80xi32, #tpu.memory_space<vmem>>) semaphore(%arg12 : memref<!tpu.dma_semaphore, #tpu.memory_space<semaphore_mem>>)
    %dma_wait3A = arith.constant 0 : i32
    %dma_wait3A_13 = tpu.memref_slice %arg7[%dma_wait3A] : memref<10000xi32, #tpu.memory_space<vmem>> -> memref<80xi32, #tpu.memory_space<vmem>>
    %dma_wait3A_14 = arith.constant 0 : i32
    %dma_wait3A_15 = arith.constant 0 : i32
    %dma_wait3A_16 = tpu.memref_slice %arg2[%dma_wait3A_14, %dma_wait3A_15] : memref<10000x128xf32, #tpu.memory_space<hbm>> -> memref<10000x128xf32, #tpu.memory_space<hbm>>
    tpu.wait_indirect_dma semaphore(%arg12 : memref<!tpu.dma_semaphore, #tpu.memory_space<semaphore_mem>>) src(%dma_wait3A_16 : memref<10000x128xf32, #tpu.memory_space<hbm>>) dst(%arg9 : memref<80x128xf32, #tpu.memory_space<vmem>>)
    %dma_start3A_17 = arith.constant 80 : i32
    %dma_start3A_18 = tpu.memref_slice %arg7[%dma_start3A_17] : memref<10000xi32, #tpu.memory_space<vmem>> -> memref<80xi32, #tpu.memory_space<vmem>>
    %dma_start3A_19 = arith.constant 0 : i32
    %dma_start3A_20 = arith.constant 0 : i32
    %dma_start3A_21 = tpu.memref_slice %arg2[%dma_start3A_19, %dma_start3A_20] : memref<10000x128xf32, #tpu.memory_space<hbm>> -> memref<10000x128xf32, #tpu.memory_space<hbm>>
    tpu.enqueue_indirect_dma source(%dma_start3A_21 : memref<10000x128xf32, #tpu.memory_space<hbm>>) target(%arg10 : memref<80x128xf32, #tpu.memory_space<vmem>>) offsets(%dma_start3A_18 : memref<80xi32, #tpu.memory_space<vmem>>) semaphore(%arg13 : memref<!tpu.dma_semaphore, #tpu.memory_space<semaphore_mem>>)
    %run_scoped3A = arith.constant 0 : i32
    "tpu.region"() ({
      %run_scoped3A_55 = tpu.sem_alloc : memref<!tpu.dma_semaphore, #tpu.memory_space<semaphore_mem>>
      %dma_start3A_56 = arith.constant 0 : i32
      %dma_start3A_57 = tpu.memref_slice %arg8[%run_scoped3A, %dma_start3A_56] : memref<125x80xi32, #tpu.memory_space<vmem>> -> memref<1x80xi32, #tpu.memory_space<vmem>>
      %dma_start3A_58 = tpu.memref_squeeze %dma_start3A_57 : memref<1x80xi32, #tpu.memory_space<vmem>> -> memref<80xi32, #tpu.memory_space<vmem>>
      %dma_start3A_59 = arith.constant 0 : i32
      %dma_start3A_60 = arith.constant 0 : i32
      %dma_start3A_61 = tpu.memref_slice %arg11[%dma_start3A_59, %dma_start3A_60] : memref<10000x128xf32, #tpu.memory_space<vmem_shared>> -> memref<10000x128xf32, #tpu.memory_space<vmem_shared>>
      tpu.enqueue_indirect_dma source(%arg9 : memref<80x128xf32, #tpu.memory_space<vmem>>) target(%dma_start3A_61 : memref<10000x128xf32, #tpu.memory_space<vmem_shared>>) offsets(%dma_start3A_58 : memref<80xi32, #tpu.memory_space<vmem>>) semaphore(%run_scoped3A_55 : memref<!tpu.dma_semaphore, #tpu.memory_space<semaphore_mem>>) {add = true}
      %dma_wait3A_62 = arith.constant 0 : i32
      %dma_wait3A_63 = tpu.memref_slice %arg8[%run_scoped3A, %dma_wait3A_62] : memref<125x80xi32, #tpu.memory_space<vmem>> -> memref<1x80xi32, #tpu.memory_space<vmem>>
      %dma_wait3A_64 = tpu.memref_squeeze %dma_wait3A_63 : memref<1x80xi32, #tpu.memory_space<vmem>> -> memref<80xi32, #tpu.memory_space<vmem>>
      %dma_wait3A_65 = arith.constant 0 : i32
      %dma_wait3A_66 = arith.constant 0 : i32
      %dma_wait3A_67 = tpu.memref_slice %arg11[%dma_wait3A_65, %dma_wait3A_66] : memref<10000x128xf32, #tpu.memory_space<vmem_shared>> -> memref<10000x128xf32, #tpu.memory_space<vmem_shared>>
      tpu.wait_indirect_dma semaphore(%run_scoped3A_55 : memref<!tpu.dma_semaphore, #tpu.memory_space<semaphore_mem>>) src(%arg9 : memref<80x128xf32, #tpu.memory_space<vmem>>) dst(%dma_wait3A_67 : memref<10000x128xf32, #tpu.memory_space<vmem_shared>>)
      tpu.yield
    }) : () -> ()
    %scan3A = arith.constant 0 : i32
    %scan3A_22 = arith.constant 0 : i32
    %scan3A_23 = arith.constant 61 : i32
    %scan3A_24 = arith.addi %scan3A_22, %scan3A_23 : i32
    %scan3A_25 = arith.constant 1 : i32
    scf.for %scan3A_55 = %scan3A_22 to %scan3A_24 step %scan3A_25  : i32 {
      %mul3A_56 = arith.constant 2 : i32
      %mul3A_57 = arith.muli %mul3A_56, %scan3A_55 : i32
      %add3A_58 = arith.constant 1 : i32
      %add3A_59 = arith.addi %mul3A_57, %add3A_58 : i32
      %add3A_60 = arith.constant 1 : i32
      %add3A_61 = arith.addi %add3A_59, %add3A_60 : i32
      %mul3A_62 = arith.constant 80 : i32
      %mul3A_63 = arith.muli %add3A_59, %mul3A_62 : i32
      %dma_wait3A_64 = tpu.memref_slice %arg7[%mul3A_63] : memref<10000xi32, #tpu.memory_space<vmem>> -> memref<80xi32, #tpu.memory_space<vmem>>
      %dma_wait3A_65 = arith.constant 0 : i32
      %dma_wait3A_66 = arith.constant 0 : i32
      %dma_wait3A_67 = tpu.memref_slice %arg2[%dma_wait3A_65, %dma_wait3A_66] : memref<10000x128xf32, #tpu.memory_space<hbm>> -> memref<10000x128xf32, #tpu.memory_space<hbm>>
      tpu.wait_indirect_dma semaphore(%arg13 : memref<!tpu.dma_semaphore, #tpu.memory_space<semaphore_mem>>) src(%dma_wait3A_67 : memref<10000x128xf32, #tpu.memory_space<hbm>>) dst(%arg10 : memref<80x128xf32, #tpu.memory_space<vmem>>)
      %mul3A_68 = arith.constant 80 : i32
      %mul3A_69 = arith.muli %add3A_61, %mul3A_68 : i32
      %dma_start3A_70 = tpu.memref_slice %arg7[%mul3A_69] : memref<10000xi32, #tpu.memory_space<vmem>> -> memref<80xi32, #tpu.memory_space<vmem>>
      %dma_start3A_71 = arith.constant 0 : i32
      %dma_start3A_72 = arith.constant 0 : i32
      %dma_start3A_73 = tpu.memref_slice %arg2[%dma_start3A_71, %dma_start3A_72] : memref<10000x128xf32, #tpu.memory_space<hbm>> -> memref<10000x128xf32, #tpu.memory_space<hbm>>
      tpu.enqueue_indirect_dma source(%dma_start3A_73 : memref<10000x128xf32, #tpu.memory_space<hbm>>) target(%arg9 : memref<80x128xf32, #tpu.memory_space<vmem>>) offsets(%dma_start3A_70 : memref<80xi32, #tpu.memory_space<vmem>>) semaphore(%arg12 : memref<!tpu.dma_semaphore, #tpu.memory_space<semaphore_mem>>)
      "tpu.region"() ({
        %run_scoped3A_88 = tpu.sem_alloc : memref<!tpu.dma_semaphore, #tpu.memory_space<semaphore_mem>>
        %dma_start3A_89 = arith.constant 0 : i32
        %dma_start3A_90 = tpu.memref_slice %arg8[%add3A_59, %dma_start3A_89] : memref<125x80xi32, #tpu.memory_space<vmem>> -> memref<1x80xi32, #tpu.memory_space<vmem>>
        %dma_start3A_91 = tpu.memref_squeeze %dma_start3A_90 : memref<1x80xi32, #tpu.memory_space<vmem>> -> memref<80xi32, #tpu.memory_space<vmem>>
        %dma_start3A_92 = arith.constant 0 : i32
        %dma_start3A_93 = arith.constant 0 : i32
        %dma_start3A_94 = tpu.memref_slice %arg11[%dma_start3A_92, %dma_start3A_93] : memref<10000x128xf32, #tpu.memory_space<vmem_shared>> -> memref<10000x128xf32, #tpu.memory_space<vmem_shared>>
        tpu.enqueue_indirect_dma source(%arg10 : memref<80x128xf32, #tpu.memory_space<vmem>>) target(%dma_start3A_94 : memref<10000x128xf32, #tpu.memory_space<vmem_shared>>) offsets(%dma_start3A_91 : memref<80xi32, #tpu.memory_space<vmem>>) semaphore(%run_scoped3A_88 : memref<!tpu.dma_semaphore, #tpu.memory_space<semaphore_mem>>) {add = true}
        %dma_wait3A_95 = arith.constant 0 : i32
        %dma_wait3A_96 = tpu.memref_slice %arg8[%add3A_59, %dma_wait3A_95] : memref<125x80xi32, #tpu.memory_space<vmem>> -> memref<1x80xi32, #tpu.memory_space<vmem>>
        %dma_wait3A_97 = tpu.memref_squeeze %dma_wait3A_96 : memref<1x80xi32, #tpu.memory_space<vmem>> -> memref<80xi32, #tpu.memory_space<vmem>>
        %dma_wait3A_98 = arith.constant 0 : i32
        %dma_wait3A_99 = arith.constant 0 : i32
        %dma_wait3A_100 = tpu.memref_slice %arg11[%dma_wait3A_98, %dma_wait3A_99] : memref<10000x128xf32, #tpu.memory_space<vmem_shared>> -> memref<10000x128xf32, #tpu.memory_space<vmem_shared>>
        tpu.wait_indirect_dma semaphore(%run_scoped3A_88 : memref<!tpu.dma_semaphore, #tpu.memory_space<semaphore_mem>>) src(%arg10 : memref<80x128xf32, #tpu.memory_space<vmem>>) dst(%dma_wait3A_100 : memref<10000x128xf32, #tpu.memory_space<vmem_shared>>)
        tpu.yield
      }) : () -> ()
      %mul3A_74 = arith.constant 80 : i32
      %mul3A_75 = arith.muli %add3A_61, %mul3A_74 : i32
      %dma_wait3A_76 = tpu.memref_slice %arg7[%mul3A_75] : memref<10000xi32, #tpu.memory_space<vmem>> -> memref<80xi32, #tpu.memory_space<vmem>>
      %dma_wait3A_77 = arith.constant 0 : i32
      %dma_wait3A_78 = arith.constant 0 : i32
      %dma_wait3A_79 = tpu.memref_slice %arg2[%dma_wait3A_77, %dma_wait3A_78] : memref<10000x128xf32, #tpu.memory_space<hbm>> -> memref<10000x128xf32, #tpu.memory_space<hbm>>
      tpu.wait_indirect_dma semaphore(%arg12 : memref<!tpu.dma_semaphore, #tpu.memory_space<semaphore_mem>>) src(%dma_wait3A_79 : memref<10000x128xf32, #tpu.memory_space<hbm>>) dst(%arg9 : memref<80x128xf32, #tpu.memory_space<vmem>>)
      %add3A_80 = arith.constant 1 : i32
      %add3A_81 = arith.addi %add3A_61, %add3A_80 : i32
      %mul3A_82 = arith.constant 80 : i32
      %mul3A_83 = arith.muli %add3A_81, %mul3A_82 : i32
      %dma_start3A_84 = tpu.memref_slice %arg7[%mul3A_83] : memref<10000xi32, #tpu.memory_space<vmem>> -> memref<80xi32, #tpu.memory_space<vmem>>
      %dma_start3A_85 = arith.constant 0 : i32
      %dma_start3A_86 = arith.constant 0 : i32
      %dma_start3A_87 = tpu.memref_slice %arg2[%dma_start3A_85, %dma_start3A_86] : memref<10000x128xf32, #tpu.memory_space<hbm>> -> memref<10000x128xf32, #tpu.memory_space<hbm>>
      tpu.enqueue_indirect_dma source(%dma_start3A_87 : memref<10000x128xf32, #tpu.memory_space<hbm>>) target(%arg10 : memref<80x128xf32, #tpu.memory_space<vmem>>) offsets(%dma_start3A_84 : memref<80xi32, #tpu.memory_space<vmem>>) semaphore(%arg13 : memref<!tpu.dma_semaphore, #tpu.memory_space<semaphore_mem>>)
      "tpu.region"() ({
        %run_scoped3A_88 = tpu.sem_alloc : memref<!tpu.dma_semaphore, #tpu.memory_space<semaphore_mem>>
        %dma_start3A_89 = arith.constant 0 : i32
        %dma_start3A_90 = tpu.memref_slice %arg8[%add3A_61, %dma_start3A_89] : memref<125x80xi32, #tpu.memory_space<vmem>> -> memref<1x80xi32, #tpu.memory_space<vmem>>
        %dma_start3A_91 = tpu.memref_squeeze %dma_start3A_90 : memref<1x80xi32, #tpu.memory_space<vmem>> -> memref<80xi32, #tpu.memory_space<vmem>>
        %dma_start3A_92 = arith.constant 0 : i32
        %dma_start3A_93 = arith.constant 0 : i32
        %dma_start3A_94 = tpu.memref_slice %arg11[%dma_start3A_92, %dma_start3A_93] : memref<10000x128xf32, #tpu.memory_space<vmem_shared>> -> memref<10000x128xf32, #tpu.memory_space<vmem_shared>>
        tpu.enqueue_indirect_dma source(%arg9 : memref<80x128xf32, #tpu.memory_space<vmem>>) target(%dma_start3A_94 : memref<10000x128xf32, #tpu.memory_space<vmem_shared>>) offsets(%dma_start3A_91 : memref<80xi32, #tpu.memory_space<vmem>>) semaphore(%run_scoped3A_88 : memref<!tpu.dma_semaphore, #tpu.memory_space<semaphore_mem>>) {add = true}
        %dma_wait3A_95 = arith.constant 0 : i32
        %dma_wait3A_96 = tpu.memref_slice %arg8[%add3A_61, %dma_wait3A_95] : memref<125x80xi32, #tpu.memory_space<vmem>> -> memref<1x80xi32, #tpu.memory_space<vmem>>
        %dma_wait3A_97 = tpu.memref_squeeze %dma_wait3A_96 : memref<1x80xi32, #tpu.memory_space<vmem>> -> memref<80xi32, #tpu.memory_space<vmem>>
        %dma_wait3A_98 = arith.constant 0 : i32
        %dma_wait3A_99 = arith.constant 0 : i32
        %dma_wait3A_100 = tpu.memref_slice %arg11[%dma_wait3A_98, %dma_wait3A_99] : memref<10000x128xf32, #tpu.memory_space<vmem_shared>> -> memref<10000x128xf32, #tpu.memory_space<vmem_shared>>
        tpu.wait_indirect_dma semaphore(%run_scoped3A_88 : memref<!tpu.dma_semaphore, #tpu.memory_space<semaphore_mem>>) src(%arg9 : memref<80x128xf32, #tpu.memory_space<vmem>>) dst(%dma_wait3A_100 : memref<10000x128xf32, #tpu.memory_space<vmem_shared>>)
        tpu.yield
      }) : () -> ()
    }
    %scan3A_26 = arith.constant 61 : i32
    %dma_wait3A_27 = arith.constant 9840 : i32
    %dma_wait3A_28 = tpu.memref_slice %arg7[%dma_wait3A_27] : memref<10000xi32, #tpu.memory_space<vmem>> -> memref<80xi32, #tpu.memory_space<vmem>>
    %dma_wait3A_29 = arith.constant 0 : i32
    %dma_wait3A_30 = arith.constant 0 : i32
    %dma_wait3A_31 = tpu.memref_slice %arg2[%dma_wait3A_29, %dma_wait3A_30] : memref<10000x128xf32, #tpu.memory_space<hbm>> -> memref<10000x128xf32, #tpu.memory_space<hbm>>
    tpu.wait_indirect_dma semaphore(%arg13 : memref<!tpu.dma_semaphore, #tpu.memory_space<semaphore_mem>>) src(%dma_wait3A_31 : memref<10000x128xf32, #tpu.memory_space<hbm>>) dst(%arg10 : memref<80x128xf32, #tpu.memory_space<vmem>>)
    %dma_start3A_32 = arith.constant 9920 : i32
    %dma_start3A_33 = tpu.memref_slice %arg7[%dma_start3A_32] : memref<10000xi32, #tpu.memory_space<vmem>> -> memref<80xi32, #tpu.memory_space<vmem>>
    %dma_start3A_34 = arith.constant 0 : i32
    %dma_start3A_35 = arith.constant 0 : i32
    %dma_start3A_36 = tpu.memref_slice %arg2[%dma_start3A_34, %dma_start3A_35] : memref<10000x128xf32, #tpu.memory_space<hbm>> -> memref<10000x128xf32, #tpu.memory_space<hbm>>
    tpu.enqueue_indirect_dma source(%dma_start3A_36 : memref<10000x128xf32, #tpu.memory_space<hbm>>) target(%arg9 : memref<80x128xf32, #tpu.memory_space<vmem>>) offsets(%dma_start3A_33 : memref<80xi32, #tpu.memory_space<vmem>>) semaphore(%arg12 : memref<!tpu.dma_semaphore, #tpu.memory_space<semaphore_mem>>)
    %run_scoped3A_37 = arith.constant 123 : i32
    "tpu.region"() ({
      %run_scoped3A_55 = tpu.sem_alloc : memref<!tpu.dma_semaphore, #tpu.memory_space<semaphore_mem>>
      %dma_start3A_56 = arith.constant 0 : i32
      %dma_start3A_57 = tpu.memref_slice %arg8[%run_scoped3A_37, %dma_start3A_56] : memref<125x80xi32, #tpu.memory_space<vmem>> -> memref<1x80xi32, #tpu.memory_space<vmem>>
      %dma_start3A_58 = tpu.memref_squeeze %dma_start3A_57 : memref<1x80xi32, #tpu.memory_space<vmem>> -> memref<80xi32, #tpu.memory_space<vmem>>
      %dma_start3A_59 = arith.constant 0 : i32
      %dma_start3A_60 = arith.constant 0 : i32
      %dma_start3A_61 = tpu.memref_slice %arg11[%dma_start3A_59, %dma_start3A_60] : memref<10000x128xf32, #tpu.memory_space<vmem_shared>> -> memref<10000x128xf32, #tpu.memory_space<vmem_shared>>
      tpu.enqueue_indirect_dma source(%arg10 : memref<80x128xf32, #tpu.memory_space<vmem>>) target(%dma_start3A_61 : memref<10000x128xf32, #tpu.memory_space<vmem_shared>>) offsets(%dma_start3A_58 : memref<80xi32, #tpu.memory_space<vmem>>) semaphore(%run_scoped3A_55 : memref<!tpu.dma_semaphore, #tpu.memory_space<semaphore_mem>>) {add = true}
      %dma_wait3A_62 = arith.constant 0 : i32
      %dma_wait3A_63 = tpu.memref_slice %arg8[%run_scoped3A_37, %dma_wait3A_62] : memref<125x80xi32, #tpu.memory_space<vmem>> -> memref<1x80xi32, #tpu.memory_space<vmem>>
      %dma_wait3A_64 = tpu.memref_squeeze %dma_wait3A_63 : memref<1x80xi32, #tpu.memory_space<vmem>> -> memref<80xi32, #tpu.memory_space<vmem>>
      %dma_wait3A_65 = arith.constant 0 : i32
      %dma_wait3A_66 = arith.constant 0 : i32
      %dma_wait3A_67 = tpu.memref_slice %arg11[%dma_wait3A_65, %dma_wait3A_66] : memref<10000x128xf32, #tpu.memory_space<vmem_shared>> -> memref<10000x128xf32, #tpu.memory_space<vmem_shared>>
      tpu.wait_indirect_dma semaphore(%run_scoped3A_55 : memref<!tpu.dma_semaphore, #tpu.memory_space<semaphore_mem>>) src(%arg10 : memref<80x128xf32, #tpu.memory_space<vmem>>) dst(%dma_wait3A_67 : memref<10000x128xf32, #tpu.memory_space<vmem_shared>>)
      tpu.yield
    }) : () -> ()
    %dma_wait3A_38 = arith.constant 9920 : i32
    %dma_wait3A_39 = tpu.memref_slice %arg7[%dma_wait3A_38] : memref<10000xi32, #tpu.memory_space<vmem>> -> memref<80xi32, #tpu.memory_space<vmem>>
    %dma_wait3A_40 = arith.constant 0 : i32
    %dma_wait3A_41 = arith.constant 0 : i32
    %dma_wait3A_42 = tpu.memref_slice %arg2[%dma_wait3A_40, %dma_wait3A_41] : memref<10000x128xf32, #tpu.memory_space<hbm>> -> memref<10000x128xf32, #tpu.memory_space<hbm>>
    tpu.wait_indirect_dma semaphore(%arg12 : memref<!tpu.dma_semaphore, #tpu.memory_space<semaphore_mem>>) src(%dma_wait3A_42 : memref<10000x128xf32, #tpu.memory_space<hbm>>) dst(%arg9 : memref<80x128xf32, #tpu.memory_space<vmem>>)
    %run_scoped3A_43 = arith.constant 124 : i32
    "tpu.region"() ({
      %run_scoped3A_55 = tpu.sem_alloc : memref<!tpu.dma_semaphore, #tpu.memory_space<semaphore_mem>>
      %dma_start3A_56 = arith.constant 0 : i32
      %dma_start3A_57 = tpu.memref_slice %arg8[%run_scoped3A_43, %dma_start3A_56] : memref<125x80xi32, #tpu.memory_space<vmem>> -> memref<1x80xi32, #tpu.memory_space<vmem>>
      %dma_start3A_58 = tpu.memref_squeeze %dma_start3A_57 : memref<1x80xi32, #tpu.memory_space<vmem>> -> memref<80xi32, #tpu.memory_space<vmem>>
      %dma_start3A_59 = arith.constant 0 : i32
      %dma_start3A_60 = arith.constant 0 : i32
      %dma_start3A_61 = tpu.memref_slice %arg11[%dma_start3A_59, %dma_start3A_60] : memref<10000x128xf32, #tpu.memory_space<vmem_shared>> -> memref<10000x128xf32, #tpu.memory_space<vmem_shared>>
      tpu.enqueue_indirect_dma source(%arg9 : memref<80x128xf32, #tpu.memory_space<vmem>>) target(%dma_start3A_61 : memref<10000x128xf32, #tpu.memory_space<vmem_shared>>) offsets(%dma_start3A_58 : memref<80xi32, #tpu.memory_space<vmem>>) semaphore(%run_scoped3A_55 : memref<!tpu.dma_semaphore, #tpu.memory_space<semaphore_mem>>) {add = true}
      %dma_wait3A_62 = arith.constant 0 : i32
      %dma_wait3A_63 = tpu.memref_slice %arg8[%run_scoped3A_43, %dma_wait3A_62] : memref<125x80xi32, #tpu.memory_space<vmem>> -> memref<1x80xi32, #tpu.memory_space<vmem>>
      %dma_wait3A_64 = tpu.memref_squeeze %dma_wait3A_63 : memref<1x80xi32, #tpu.memory_space<vmem>> -> memref<80xi32, #tpu.memory_space<vmem>>
      %dma_wait3A_65 = arith.constant 0 : i32
      %dma_wait3A_66 = arith.constant 0 : i32
      %dma_wait3A_67 = tpu.memref_slice %arg11[%dma_wait3A_65, %dma_wait3A_66] : memref<10000x128xf32, #tpu.memory_space<vmem_shared>> -> memref<10000x128xf32, #tpu.memory_space<vmem_shared>>
      tpu.wait_indirect_dma semaphore(%run_scoped3A_55 : memref<!tpu.dma_semaphore, #tpu.memory_space<semaphore_mem>>) src(%arg9 : memref<80x128xf32, #tpu.memory_space<vmem>>) dst(%dma_wait3A_67 : memref<10000x128xf32, #tpu.memory_space<vmem_shared>>)
      tpu.yield
    }) : () -> ()
    %barrier3A_44 = arith.constant 0 : index
    tpu.barrier barrier_id(%barrier3A_44)
    %lt3A_45 = arith.constant 15 : i32
    %lt3A_46 = arith.cmpi slt, %arg1, %lt3A_45 : i32
    %convert_element_type3A_47 = arith.extui %lt3A_46 : i1 to i32
    %cond3A_48 = arith.constant 0 : i32
    %cond3A_49 = arith.cmpi ne, %convert_element_type3A_47, %cond3A_48 : i32
    scf.if %cond3A_49 {
      %mul3A_55 = arith.constant 624 : i32
      %mul3A_56 = arith.muli %arg1, %mul3A_55 : i32
      %mul3A_57 = arith.constant 624 : i32
      %mul3A_58 = arith.muli %arg1, %mul3A_57 : i32
      "tpu.region"() ({
        %run_scoped3A_59 = tpu.sem_alloc : memref<!tpu.dma_semaphore, #tpu.memory_space<semaphore_mem>>
        %dma_start3A_60 = arith.constant 0 : i32
        %dma_start3A_61 = tpu.memref_slice %arg6[%arg0, %mul3A_58, %dma_start3A_60] : memref<2x10000x128xf32, #tpu.memory_space<hbm>> -> memref<1x624x128xf32, #tpu.memory_space<hbm>>
        %dma_start3A_62 = tpu.memref_squeeze %dma_start3A_61 : memref<1x624x128xf32, #tpu.memory_space<hbm>> -> memref<624x128xf32, #tpu.memory_space<hbm>>
        %dma_start3A_63 = arith.constant 0 : i32
        %dma_start3A_64 = tpu.memref_slice %arg11[%mul3A_56, %dma_start3A_63] : memref<10000x128xf32, #tpu.memory_space<vmem_shared>> -> memref<624x128xf32, #tpu.memory_space<vmem_shared>>
        tpu.enqueue_dma source(%dma_start3A_64 : memref<624x128xf32, #tpu.memory_space<vmem_shared>>) target(%dma_start3A_62 : memref<624x128xf32, #tpu.memory_space<hbm>>) target_semaphore(%run_scoped3A_59 : memref<!tpu.dma_semaphore, #tpu.memory_space<semaphore_mem>>)
        %dma_wait3A_65 = arith.constant 0 : i32
        %dma_wait3A_66 = tpu.memref_slice %arg6[%arg0, %mul3A_58, %dma_wait3A_65] : memref<2x10000x128xf32, #tpu.memory_space<hbm>> -> memref<1x624x128xf32, #tpu.memory_space<hbm>>
        %dma_wait3A_67 = tpu.memref_squeeze %dma_wait3A_66 : memref<1x624x128xf32, #tpu.memory_space<hbm>> -> memref<624x128xf32, #tpu.memory_space<hbm>>
        %dma_wait3A_68 = arith.constant 0 : i32
        %dma_wait3A_69 = tpu.memref_slice %arg11[%mul3A_56, %dma_wait3A_68] : memref<10000x128xf32, #tpu.memory_space<vmem_shared>> -> memref<624x128xf32, #tpu.memory_space<vmem_shared>>
        tpu.wait_dma2 semaphore(%run_scoped3A_59 : memref<!tpu.dma_semaphore, #tpu.memory_space<semaphore_mem>>) src(%dma_wait3A_69 : memref<624x128xf32, #tpu.memory_space<vmem_shared>>) dst(%dma_wait3A_67 : memref<624x128xf32, #tpu.memory_space<hbm>>)
        tpu.yield
      }) : () -> ()
    } else {
    }
    %eq3A_50 = arith.constant 15 : i32
    %eq3A_51 = arith.cmpi eq, %arg1, %eq3A_50 : i32
    %convert_element_type3A_52 = arith.extui %eq3A_51 : i1 to i32
    %cond3A_53 = arith.constant 0 : i32
    %cond3A_54 = arith.cmpi ne, %convert_element_type3A_52, %cond3A_53 : i32
    scf.if %cond3A_54 {
      "tpu.region"() ({
        %run_scoped3A_55 = tpu.sem_alloc : memref<!tpu.dma_semaphore, #tpu.memory_space<semaphore_mem>>
        %dma_start3A_56 = arith.constant 9360 : i32
        %dma_start3A_57 = arith.constant 0 : i32
        %dma_start3A_58 = tpu.memref_slice %arg6[%arg0, %dma_start3A_56, %dma_start3A_57] : memref<2x10000x128xf32, #tpu.memory_space<hbm>> -> memref<1x640x128xf32, #tpu.memory_space<hbm>>
        %dma_start3A_59 = tpu.memref_squeeze %dma_start3A_58 : memref<1x640x128xf32, #tpu.memory_space<hbm>> -> memref<640x128xf32, #tpu.memory_space<hbm>>
        %dma_start3A_60 = arith.constant 9360 : i32
        %dma_start3A_61 = arith.constant 0 : i32
        %dma_start3A_62 = tpu.memref_slice %arg11[%dma_start3A_60, %dma_start3A_61] : memref<10000x128xf32, #tpu.memory_space<vmem_shared>> -> memref<640x128xf32, #tpu.memory_space<vmem_shared>>
        tpu.enqueue_dma source(%dma_start3A_62 : memref<640x128xf32, #tpu.memory_space<vmem_shared>>) target(%dma_start3A_59 : memref<640x128xf32, #tpu.memory_space<hbm>>) target_semaphore(%run_scoped3A_55 : memref<!tpu.dma_semaphore, #tpu.memory_space<semaphore_mem>>)
        %dma_wait3A_63 = arith.constant 9360 : i32
        %dma_wait3A_64 = arith.constant 0 : i32
        %dma_wait3A_65 = tpu.memref_slice %arg6[%arg0, %dma_wait3A_63, %dma_wait3A_64] : memref<2x10000x128xf32, #tpu.memory_space<hbm>> -> memref<1x640x128xf32, #tpu.memory_space<hbm>>
        %dma_wait3A_66 = tpu.memref_squeeze %dma_wait3A_65 : memref<1x640x128xf32, #tpu.memory_space<hbm>> -> memref<640x128xf32, #tpu.memory_space<hbm>>
        %dma_wait3A_67 = arith.constant 9360 : i32
        %dma_wait3A_68 = arith.constant 0 : i32
        %dma_wait3A_69 = tpu.memref_slice %arg11[%dma_wait3A_67, %dma_wait3A_68] : memref<10000x128xf32, #tpu.memory_space<vmem_shared>> -> memref<640x128xf32, #tpu.memory_space<vmem_shared>>
        tpu.wait_dma2 semaphore(%run_scoped3A_55 : memref<!tpu.dma_semaphore, #tpu.memory_space<semaphore_mem>>) src(%dma_wait3A_69 : memref<640x128xf32, #tpu.memory_space<vmem_shared>>) dst(%dma_wait3A_66 : memref<640x128xf32, #tpu.memory_space<hbm>>)
        tpu.yield
      }) : () -> ()
    } else {
    }
    return
  }
}

module attributes {stable_mosaic.version = 14 : i64} {
  func.func @_tc_first_body(%arg0: i32, %arg1: memref<1000x32xf32, #tpu.memory_space<vmem>>, %arg2: memref<1000x128xf32, #tpu.memory_space<vmem>>, %arg3: memref<128x128xf32, #tpu.memory_space<vmem>>, %arg4: memref<1000x128xf32, #tpu.memory_space<vmem>>) attributes {dimension_semantics = [#tpu.dimension_semantics<arbitrary>], iteration_bounds = array<i64: 10>, scalar_prefetch = 0 : i64, scratch_operands = 0 : i64, tpu.core_type = #tpu.core_type<tc>, window_params = [{transform_indices = @transform_0, window_bounds = array<i64: 1000, 32>}, {transform_indices = @transform_1, window_bounds = array<i64: 1000, 128>}, {pipeline_mode = #tpu.pipeline_mode<synchronous>, transform_indices = @transform_2, window_bounds = array<i64: 128, 128>}, {transform_indices = @transform_3, window_bounds = array<i64: 1000, 128>}]} {
    %get3A = arith.constant 0 : index
    %get3A_0 = arith.constant 0 : index
    %get3A_1 = vector.load %arg1[%get3A, %get3A_0] : memref<1000x32xf32, #tpu.memory_space<vmem>>, vector<1000x32xf32>
    %reduce_sum3A = arith.constant dense<0.000000e+00> : vector<1000xf32>
    %reduce_sum3A_2 = vector.multi_reduction <add>, %get3A_1, %reduce_sum3A [1] : vector<1000x32xf32> to vector<1000xf32>
    %broadcast_in_dim3A = vector.shape_cast %reduce_sum3A_2 : vector<1000xf32> to vector<1000x1xf32>
    %add3A = arith.constant 1.000000e+00 : f32
    %add3A_3 = vector.broadcast %add3A : f32 to vector<1000x1xf32>
    %add3A_4 = arith.addf %broadcast_in_dim3A, %add3A_3 : vector<1000x1xf32>
    %rsqrt3A = math.rsqrt %add3A_4 : vector<1000x1xf32>
    %get3A_5 = arith.constant 0 : index
    %get3A_6 = arith.constant 0 : index
    %get3A_7 = vector.load %arg2[%get3A_5, %get3A_6] : memref<1000x128xf32, #tpu.memory_space<vmem>>, vector<1000x128xf32>
    %get3A_8 = arith.constant 0 : index
    %get3A_9 = arith.constant 0 : index
    %get3A_10 = vector.load %arg3[%get3A_8, %get3A_9] : memref<128x128xf32, #tpu.memory_space<vmem>>, vector<128x128xf32>
    %dot_general3A = arith.constant dense<0.000000e+00> : vector<1000x128xf32>
    %dot_general3A_11 = tpu.matmul %get3A_7, %get3A_10, %dot_general3A {dimension_numbers = #tpu.dot_dimension_numbers<[1], [0], [0], [1], [0, 0, 1, 1], [], []>, transpose_lhs_hint = false} : vector<1000x128xf32>, vector<128x128xf32>, vector<1000x128xf32> -> vector<1000x128xf32>
    %mul3A = vector.broadcast %rsqrt3A : vector<1000x1xf32> to vector<1000x128xf32>
    %mul3A_12 = arith.mulf %dot_general3A_11, %mul3A : vector<1000x128xf32>
    %swap3A = arith.constant 0 : index
    %swap3A_13 = arith.constant 0 : index
    %swap3A_14 = vector.load %arg4[%swap3A, %swap3A_13] : memref<1000x128xf32, #tpu.memory_space<vmem>>, vector<1000x128xf32>
    tpu.vector_store %arg4[%swap3A, %swap3A_13], %mul3A_12 {strides = array<i32>} : memref<1000x128xf32, #tpu.memory_space<vmem>>, vector<1000x128xf32>,
    return
  }
  func.func @transform_0(%arg0: i32) -> (i32, i32) {
    %c0_i32 = arith.constant 0 : i32
    %c0_i32_0 = arith.constant 0 : i32
    return %arg0, %c0_i32 : i32, i32
  }
  func.func @transform_1(%arg0: i32) -> (i32, i32) {
    %c0_i32 = arith.constant 0 : i32
    %c0_i32_0 = arith.constant 0 : i32
    return %arg0, %c0_i32 : i32, i32
  }
  func.func @transform_2(%arg0: i32) -> (i32, i32) {
    %c0_i32 = arith.constant 0 : i32
    %c0_i32_0 = arith.constant 0 : i32
    %c0_i32_1 = arith.constant 0 : i32
    return %c0_i32, %c0_i32_0 : i32, i32
  }
  func.func @transform_3(%arg0: i32) -> (i32, i32) {
    %c0_i32 = arith.constant 0 : i32
    %c0_i32_0 = arith.constant 0 : i32
    return %arg0, %c0_i32 : i32, i32
  }
}

module attributes {stable_mosaic.version = 14 : i64} {
  func.func @_tc_mid_body(%arg0: i32, %arg1: memref<1000x32xf32, #tpu.memory_space<vmem>>, %arg2: memref<2x1000x128xf32, #tpu.memory_space<vmem>>, %arg3: memref<1000x128xf32, #tpu.memory_space<vmem>>, %arg4: memref<1x128xf32, #tpu.memory_space<vmem>>, %arg5: memref<128x128xf32, #tpu.memory_space<vmem>>, %arg6: memref<1000x128xf32, #tpu.memory_space<vmem>>) attributes {dimension_semantics = [#tpu.dimension_semantics<arbitrary>], iteration_bounds = array<i64: 10>, scalar_prefetch = 0 : i64, scratch_operands = 0 : i64, tpu.core_type = #tpu.core_type<tc>, window_params = [{transform_indices = @transform_0, window_bounds = array<i64: 1000, 32>}, {transform_indices = @transform_1, window_bounds = array<i64: 2, 1000, 128>}, {transform_indices = @transform_2, window_bounds = array<i64: 1000, 128>}, {pipeline_mode = #tpu.pipeline_mode<synchronous>, transform_indices = @transform_3, window_bounds = array<i64: 1, 128>}, {pipeline_mode = #tpu.pipeline_mode<synchronous>, transform_indices = @transform_4, window_bounds = array<i64: 128, 128>}, {transform_indices = @transform_5, window_bounds = array<i64: 1000, 128>}]} {
    %get3A = arith.constant 0 : index
    %get3A_0 = arith.constant 0 : index
    %get3A_1 = vector.load %arg1[%get3A, %get3A_0] : memref<1000x32xf32, #tpu.memory_space<vmem>>, vector<1000x32xf32>
    %reduce_sum3A = arith.constant dense<0.000000e+00> : vector<1000xf32>
    %reduce_sum3A_2 = vector.multi_reduction <add>, %get3A_1, %reduce_sum3A [1] : vector<1000x32xf32> to vector<1000xf32>
    %broadcast_in_dim3A = vector.shape_cast %reduce_sum3A_2 : vector<1000xf32> to vector<1000x1xf32>
    %add3A = arith.constant 1.000000e+00 : f32
    %add3A_3 = vector.broadcast %add3A : f32 to vector<1000x1xf32>
    %add3A_4 = arith.addf %broadcast_in_dim3A, %add3A_3 : vector<1000x1xf32>
    %rsqrt3A = math.rsqrt %add3A_4 : vector<1000x1xf32>
    %get3A_5 = arith.constant 0 : index
    %get3A_6 = arith.constant 0 : index
    %get3A_7 = arith.constant 0 : index
    %get3A_8 = vector.load %arg2[%get3A_5, %get3A_6, %get3A_7] : memref<2x1000x128xf32, #tpu.memory_space<vmem>>, vector<1x1000x128xf32>
    %get3A_9 = vector.shape_cast %get3A_8 : vector<1x1000x128xf32> to vector<1000x128xf32>
    %get3A_10 = arith.constant 1 : index
    %get3A_11 = arith.constant 0 : index
    %get3A_12 = arith.constant 0 : index
    %get3A_13 = vector.load %arg2[%get3A_10, %get3A_11, %get3A_12] : memref<2x1000x128xf32, #tpu.memory_space<vmem>>, vector<1x1000x128xf32>
    %get3A_14 = vector.shape_cast %get3A_13 : vector<1x1000x128xf32> to vector<1000x128xf32>
    %add3A_15 = arith.addf %get3A_9, %get3A_14 : vector<1000x128xf32>
    %get3A_16 = arith.constant 0 : index
    %get3A_17 = arith.constant 0 : index
    %get3A_18 = vector.load %arg3[%get3A_16, %get3A_17] : memref<1000x128xf32, #tpu.memory_space<vmem>>, vector<1000x128xf32>
    %add3A_19 = arith.addf %add3A_15, %get3A_18 : vector<1000x128xf32>
    %mul3A = vector.broadcast %rsqrt3A : vector<1000x1xf32> to vector<1000x128xf32>
    %mul3A_20 = arith.mulf %add3A_19, %mul3A : vector<1000x128xf32>
    %get3A_21 = arith.constant 0 : index
    %get3A_22 = arith.constant 0 : index
    %get3A_23 = vector.load %arg4[%get3A_21, %get3A_22] : memref<1x128xf32, #tpu.memory_space<vmem>>, vector<1x128xf32>
    %add3A_24 = vector.broadcast %get3A_23 : vector<1x128xf32> to vector<1000x128xf32>
    %add3A_25 = arith.addf %mul3A_20, %add3A_24 : vector<1000x128xf32>
    %max3A = arith.constant 0.000000e+00 : f32
    %max3A_26 = vector.broadcast %max3A : f32 to vector<1000x128xf32>
    %max3A_27 = arith.maximumf %add3A_25, %max3A_26 : vector<1000x128xf32>
    %get3A_28 = arith.constant 0 : index
    %get3A_29 = arith.constant 0 : index
    %get3A_30 = vector.load %arg5[%get3A_28, %get3A_29] : memref<128x128xf32, #tpu.memory_space<vmem>>, vector<128x128xf32>
    %dot_general3A = arith.constant dense<0.000000e+00> : vector<1000x128xf32>
    %dot_general3A_31 = tpu.matmul %max3A_27, %get3A_30, %dot_general3A {dimension_numbers = #tpu.dot_dimension_numbers<[1], [0], [0], [1], [0, 0, 1, 1], [], []>, transpose_lhs_hint = false} : vector<1000x128xf32>, vector<128x128xf32>, vector<1000x128xf32> -> vector<1000x128xf32>
    %mul3A_32 = vector.broadcast %rsqrt3A : vector<1000x1xf32> to vector<1000x128xf32>
    %mul3A_33 = arith.mulf %dot_general3A_31, %mul3A_32 : vector<1000x128xf32>
    %swap3A = arith.constant 0 : index
    %swap3A_34 = arith.constant 0 : index
    %swap3A_35 = vector.load %arg6[%swap3A, %swap3A_34] : memref<1000x128xf32, #tpu.memory_space<vmem>>, vector<1000x128xf32>
    tpu.vector_store %arg6[%swap3A, %swap3A_34], %mul3A_33 {strides = array<i32>} : memref<1000x128xf32, #tpu.memory_space<vmem>>, vector<1000x128xf32>,
    return
  }
  func.func @transform_0(%arg0: i32) -> (i32, i32) {
    %c0_i32 = arith.constant 0 : i32
    %c0_i32_0 = arith.constant 0 : i32
    return %arg0, %c0_i32 : i32, i32
  }
  func.func @transform_1(%arg0: i32) -> (i32, i32, i32) {
    %c0_i32 = arith.constant 0 : i32
    %c0_i32_0 = arith.constant 0 : i32
    %c0_i32_1 = arith.constant 0 : i32
    return %c0_i32, %arg0, %c0_i32_0 : i32, i32, i32
  }
  func.func @transform_2(%arg0: i32) -> (i32, i32) {
    %c0_i32 = arith.constant 0 : i32
    %c0_i32_0 = arith.constant 0 : i32
    return %arg0, %c0_i32 : i32, i32
  }
  func.func @transform_3(%arg0: i32) -> (i32, i32) {
    %c0_i32 = arith.constant 0 : i32
    %c0_i32_0 = arith.constant 0 : i32
    %c0_i32_1 = arith.constant 0 : i32
    return %c0_i32, %c0_i32_0 : i32, i32
  }
  func.func @transform_4(%arg0: i32) -> (i32, i32) {
    %c0_i32 = arith.constant 0 : i32
    %c0_i32_0 = arith.constant 0 : i32
    %c0_i32_1 = arith.constant 0 : i32
    return %c0_i32, %c0_i32_0 : i32, i32
  }
  func.func @transform_5(%arg0: i32) -> (i32, i32) {
    %c0_i32 = arith.constant 0 : i32
    %c0_i32_0 = arith.constant 0 : i32
    return %arg0, %c0_i32 : i32, i32
  }
}

module attributes {stable_mosaic.version = 14 : i64} {
  func.func @_tc_last_body(%arg0: i32, %arg1: memref<1000x32xf32, #tpu.memory_space<vmem>>, %arg2: memref<2x1000x128xf32, #tpu.memory_space<vmem>>, %arg3: memref<1000x128xf32, #tpu.memory_space<vmem>>, %arg4: memref<1x128xf32, #tpu.memory_space<vmem>>, %arg5: memref<1x1x1000xi32, #tpu.memory_space<vmem>>, %arg6: memref<128x16xf32, #tpu.memory_space<vmem>>, %arg7: memref<1x16xf32, #tpu.memory_space<vmem>>, %arg8: memref<8x16xf32, #tpu.memory_space<vmem>>, %arg9: memref<8x128xf32, #tpu.memory_space<vmem>>) attributes {dimension_semantics = [#tpu.dimension_semantics<arbitrary>], iteration_bounds = array<i64: 10>, scalar_prefetch = 0 : i64, scratch_operands = 1 : i64, tpu.core_type = #tpu.core_type<tc>, window_params = [{transform_indices = @transform_0, window_bounds = array<i64: 1000, 32>}, {transform_indices = @transform_1, window_bounds = array<i64: 2, 1000, 128>}, {transform_indices = @transform_2, window_bounds = array<i64: 1000, 128>}, {pipeline_mode = #tpu.pipeline_mode<synchronous>, transform_indices = @transform_3, window_bounds = array<i64: 1, 128>}, {transform_indices = @transform_4, window_bounds = array<i64: 1, 1, 1000>}, {pipeline_mode = #tpu.pipeline_mode<synchronous>, transform_indices = @transform_5, window_bounds = array<i64: 128, 16>}, {pipeline_mode = #tpu.pipeline_mode<synchronous>, transform_indices = @transform_6, window_bounds = array<i64: 1, 16>}, {pipeline_mode = #tpu.pipeline_mode<synchronous>, transform_indices = @transform_7, window_bounds = array<i64: 8, 16>}]} {
    %get3A = arith.constant 0 : index
    %get3A_0 = arith.constant 0 : index
    %get3A_1 = vector.load %arg1[%get3A, %get3A_0] : memref<1000x32xf32, #tpu.memory_space<vmem>>, vector<1000x32xf32>
    %reduce_sum3A = arith.constant dense<0.000000e+00> : vector<1000xf32>
    %reduce_sum3A_2 = vector.multi_reduction <add>, %get3A_1, %reduce_sum3A [1] : vector<1000x32xf32> to vector<1000xf32>
    %broadcast_in_dim3A = vector.shape_cast %reduce_sum3A_2 : vector<1000xf32> to vector<1000x1xf32>
    %add3A = arith.constant 1.000000e+00 : f32
    %add3A_3 = vector.broadcast %add3A : f32 to vector<1000x1xf32>
    %add3A_4 = arith.addf %broadcast_in_dim3A, %add3A_3 : vector<1000x1xf32>
    %rsqrt3A = math.rsqrt %add3A_4 : vector<1000x1xf32>
    %get3A_5 = arith.constant 0 : index
    %get3A_6 = arith.constant 0 : index
    %get3A_7 = arith.constant 0 : index
    %get3A_8 = vector.load %arg2[%get3A_5, %get3A_6, %get3A_7] : memref<2x1000x128xf32, #tpu.memory_space<vmem>>, vector<1x1000x128xf32>
    %get3A_9 = vector.shape_cast %get3A_8 : vector<1x1000x128xf32> to vector<1000x128xf32>
    %get3A_10 = arith.constant 1 : index
    %get3A_11 = arith.constant 0 : index
    %get3A_12 = arith.constant 0 : index
    %get3A_13 = vector.load %arg2[%get3A_10, %get3A_11, %get3A_12] : memref<2x1000x128xf32, #tpu.memory_space<vmem>>, vector<1x1000x128xf32>
    %get3A_14 = vector.shape_cast %get3A_13 : vector<1x1000x128xf32> to vector<1000x128xf32>
    %add3A_15 = arith.addf %get3A_9, %get3A_14 : vector<1000x128xf32>
    %get3A_16 = arith.constant 0 : index
    %get3A_17 = arith.constant 0 : index
    %get3A_18 = vector.load %arg3[%get3A_16, %get3A_17] : memref<1000x128xf32, #tpu.memory_space<vmem>>, vector<1000x128xf32>
    %add3A_19 = arith.addf %add3A_15, %get3A_18 : vector<1000x128xf32>
    %mul3A = vector.broadcast %rsqrt3A : vector<1000x1xf32> to vector<1000x128xf32>
    %mul3A_20 = arith.mulf %add3A_19, %mul3A : vector<1000x128xf32>
    %get3A_21 = arith.constant 0 : index
    %get3A_22 = arith.constant 0 : index
    %get3A_23 = vector.load %arg4[%get3A_21, %get3A_22] : memref<1x128xf32, #tpu.memory_space<vmem>>, vector<1x128xf32>
    %add3A_24 = vector.broadcast %get3A_23 : vector<1x128xf32> to vector<1000x128xf32>
    %add3A_25 = arith.addf %mul3A_20, %add3A_24 : vector<1000x128xf32>
    %max3A = arith.constant 0.000000e+00 : f32
    %max3A_26 = vector.broadcast %max3A : f32 to vector<1000x128xf32>
    %max3A_27 = arith.maximumf %add3A_25, %max3A_26 : vector<1000x128xf32>
    %iota3A = tpu.iota {dimensions = array<i32: 0>} : vector<8x1000xi32>
    %get3A_28 = arith.constant 0 : index
    %get3A_29 = arith.constant 0 : index
    %get3A_30 = arith.constant 0 : index
    %get3A_31 = vector.load %arg5[%get3A_28, %get3A_29, %get3A_30] : memref<1x1x1000xi32, #tpu.memory_space<vmem>>, vector<1x1x1000xi32>
    %get3A_32 = vector.shape_cast %get3A_31 : vector<1x1x1000xi32> to vector<1x1000xi32>
    %eq3A = vector.broadcast %get3A_32 : vector<1x1000xi32> to vector<8x1000xi32>
    %eq3A_33 = arith.cmpi eq, %iota3A, %eq3A : vector<8x1000xi32>
    %convert_element_type3A = arith.extui %eq3A_33 : vector<8x1000xi1> to vector<8x1000xi32>
    %convert_element_type3A_34 = arith.sitofp %convert_element_type3A : vector<8x1000xi32> to vector<8x1000xf32>
    %dot_general3A = arith.constant dense<0.000000e+00> : vector<8x128xf32>
    %dot_general3A_35 = tpu.matmul %convert_element_type3A_34, %max3A_27, %dot_general3A {dimension_numbers = #tpu.dot_dimension_numbers<[1], [0], [0], [1], [0, 0, 1, 1], [], []>, transpose_lhs_hint = false} : vector<8x1000xf32>, vector<1000x128xf32>, vector<8x128xf32> -> vector<8x128xf32>
    %eq3A_36 = arith.constant 0 : i32
    %eq3A_37 = arith.cmpi eq, %arg0, %eq3A_36 : i32
    %convert_element_type3A_38 = arith.extui %eq3A_37 : i1 to i32
    %cond3A = arith.constant 0 : i32
    %cond3A_39 = arith.cmpi ne, %convert_element_type3A_38, %cond3A : i32
    scf.if %cond3A_39 {
      %swap3A = arith.constant 0 : index
      %swap3A_49 = arith.constant 0 : index
      %swap3A_50 = vector.load %arg9[%swap3A, %swap3A_49] : memref<8x128xf32, #tpu.memory_space<vmem>>, vector<8x128xf32>
      tpu.vector_store %arg9[%swap3A, %swap3A_49], %dot_general3A_35 {strides = array<i32>} : memref<8x128xf32, #tpu.memory_space<vmem>>, vector<8x128xf32>,
    } else {
    }
    %gt3A = arith.constant 0 : i32
    %gt3A_40 = arith.cmpi sgt, %arg0, %gt3A : i32
    %convert_element_type3A_41 = arith.extui %gt3A_40 : i1 to i32
    %cond3A_42 = arith.constant 0 : i32
    %cond3A_43 = arith.cmpi ne, %convert_element_type3A_41, %cond3A_42 : i32
    scf.if %cond3A_43 {
      %get3A_49 = arith.constant 0 : index
      %get3A_50 = arith.constant 0 : index
      %get3A_51 = vector.load %arg9[%get3A_49, %get3A_50] : memref<8x128xf32, #tpu.memory_space<vmem>>, vector<8x128xf32>
      %add3A_52 = arith.addf %get3A_51, %dot_general3A_35 : vector<8x128xf32>
      %swap3A = arith.constant 0 : index
      %swap3A_53 = arith.constant 0 : index
      %swap3A_54 = vector.load %arg9[%swap3A, %swap3A_53] : memref<8x128xf32, #tpu.memory_space<vmem>>, vector<8x128xf32>
      tpu.vector_store %arg9[%swap3A, %swap3A_53], %add3A_52 {strides = array<i32>} : memref<8x128xf32, #tpu.memory_space<vmem>>, vector<8x128xf32>,
    } else {
    }
    %eq3A_44 = arith.constant 9 : i32
    %eq3A_45 = arith.cmpi eq, %arg0, %eq3A_44 : i32
    %convert_element_type3A_46 = arith.extui %eq3A_45 : i1 to i32
    %cond3A_47 = arith.constant 0 : i32
    %cond3A_48 = arith.cmpi ne, %convert_element_type3A_46, %cond3A_47 : i32
    scf.if %cond3A_48 {
      %get3A_49 = arith.constant 0 : index
      %get3A_50 = arith.constant 0 : index
      %get3A_51 = vector.load %arg9[%get3A_49, %get3A_50] : memref<8x128xf32, #tpu.memory_space<vmem>>, vector<8x128xf32>
      %get3A_52 = arith.constant 0 : index
      %get3A_53 = arith.constant 0 : index
      %get3A_54 = vector.load %arg6[%get3A_52, %get3A_53] : memref<128x16xf32, #tpu.memory_space<vmem>>, vector<128x16xf32>
      %dot_general3A_55 = arith.constant dense<0.000000e+00> : vector<8x16xf32>
      %dot_general3A_56 = tpu.matmul %get3A_51, %get3A_54, %dot_general3A_55 {dimension_numbers = #tpu.dot_dimension_numbers<[1], [0], [0], [1], [0, 0, 1, 1], [], []>, transpose_lhs_hint = false} : vector<8x128xf32>, vector<128x16xf32>, vector<8x16xf32> -> vector<8x16xf32>
      %get3A_57 = arith.constant 0 : index
      %get3A_58 = arith.constant 0 : index
      %get3A_59 = vector.load %arg7[%get3A_57, %get3A_58] : memref<1x16xf32, #tpu.memory_space<vmem>>, vector<1x16xf32>
      %add3A_60 = vector.broadcast %get3A_59 : vector<1x16xf32> to vector<8x16xf32>
      %add3A_61 = arith.addf %dot_general3A_56, %add3A_60 : vector<8x16xf32>
      %reduce_max3A = arith.constant dense<0xFF800000> : vector<8xf32>
      %reduce_max3A_62 = vector.multi_reduction <maximumf>, %add3A_61, %reduce_max3A [1] : vector<8x16xf32> to vector<8xf32>
      %broadcast_in_dim3A_63 = vector.shape_cast %reduce_max3A_62 : vector<8xf32> to vector<8x1xf32>
      %sub3A = vector.broadcast %broadcast_in_dim3A_63 : vector<8x1xf32> to vector<8x16xf32>
      %sub3A_64 = arith.subf %add3A_61, %sub3A : vector<8x16xf32>
      %exp3A = math.exp %sub3A_64 : vector<8x16xf32>
      %reduce_sum3A_65 = arith.constant dense<0.000000e+00> : vector<8xf32>
      %reduce_sum3A_66 = vector.multi_reduction <add>, %exp3A, %reduce_sum3A_65 [1] : vector<8x16xf32> to vector<8xf32>
      %broadcast_in_dim3A_67 = vector.shape_cast %reduce_sum3A_66 : vector<8xf32> to vector<8x1xf32>
      %log3A = math.log %broadcast_in_dim3A_67 : vector<8x1xf32>
      %sub3A_68 = vector.broadcast %log3A : vector<8x1xf32> to vector<8x16xf32>
      %sub3A_69 = arith.subf %sub3A_64, %sub3A_68 : vector<8x16xf32>
      %swap3A = arith.constant 0 : index
      %swap3A_70 = arith.constant 0 : index
      %swap3A_71 = vector.load %arg8[%swap3A, %swap3A_70] : memref<8x16xf32, #tpu.memory_space<vmem>>, vector<8x16xf32>
      tpu.vector_store %arg8[%swap3A, %swap3A_70], %sub3A_69 {strides = array<i32>} : memref<8x16xf32, #tpu.memory_space<vmem>>, vector<8x16xf32>,
    } else {
    }
    return
  }
  func.func @transform_0(%arg0: i32) -> (i32, i32) {
    %c0_i32 = arith.constant 0 : i32
    %c0_i32_0 = arith.constant 0 : i32
    return %arg0, %c0_i32 : i32, i32
  }
  func.func @transform_1(%arg0: i32) -> (i32, i32, i32) {
    %c0_i32 = arith.constant 0 : i32
    %c0_i32_0 = arith.constant 0 : i32
    %c0_i32_1 = arith.constant 0 : i32
    return %c0_i32, %arg0, %c0_i32_0 : i32, i32, i32
  }
  func.func @transform_2(%arg0: i32) -> (i32, i32) {
    %c0_i32 = arith.constant 0 : i32
    %c0_i32_0 = arith.constant 0 : i32
    return %arg0, %c0_i32 : i32, i32
  }
  func.func @transform_3(%arg0: i32) -> (i32, i32) {
    %c0_i32 = arith.constant 0 : i32
    %c0_i32_0 = arith.constant 0 : i32
    %c0_i32_1 = arith.constant 0 : i32
    return %c0_i32, %c0_i32_0 : i32, i32
  }
  func.func @transform_4(%arg0: i32) -> (i32, i32, i32) {
    %c0_i32 = arith.constant 0 : i32
    %c0_i32_0 = arith.constant 0 : i32
    %c0_i32_1 = arith.constant 0 : i32
    return %arg0, %c0_i32, %c0_i32_0 : i32, i32, i32
  }
  func.func @transform_5(%arg0: i32) -> (i32, i32) {
    %c0_i32 = arith.constant 0 : i32
    %c0_i32_0 = arith.constant 0 : i32
    %c0_i32_1 = arith.constant 0 : i32
    return %c0_i32, %c0_i32_0 : i32, i32
  }
  func.func @transform_6(%arg0: i32) -> (i32, i32) {
    %c0_i32 = arith.constant 0 : i32
    %c0_i32_0 = arith.constant 0 : i32
    %c0_i32_1 = arith.constant 0 : i32
    return %c0_i32, %c0_i32_0 : i32, i32
  }
  func.func @transform_7(%arg0: i32) -> (i32, i32) {
    %c0_i32 = arith.constant 0 : i32
    %c0_i32_0 = arith.constant 0 : i32
    %c0_i32_1 = arith.constant 0 : i32
    return %c0_i32, %c0_i32_0 : i32, i32
  }
}

</mosaic_0001>

<sc_bundles>
// kernel: kernel.11.cloned.1.call-start
scs
__scs_entry_jumppad:
0x0: {  	(pc) =	sbr.rel $0x88, $3  }
0x1: {  	(tag) =	ssettag $0x0;
	lr =	simm.s32 $0x1  }
0x2: {  	[smem:$0x3F98] =	sst lr;
	_ =	strace $0xD0000000  }
0x3: {  	_ = 	snop  }
0x4: {  	_ = 	snop  }
0x5: {  	_ = 	snop  }
0x6: {  	_ = 	snop  }
0x7: {  	_ = 	snop  }
__scs_overlays_trampoline_lowered:
0x8: {  	[smem:$0x3FA7] =	sst s0  }
0x9: {  	[smem:$0x3FA8] =	sst s1  }
0xa: {  	[smem:$0x3FA9] =	sst s2  }
0xb: {  	[smem:$0x3FAA] =	sst s3  }
0xc: {  	[smem:$0x3FAB] =	sst s4  }
0xd: {  	[smem:$0x3FAC] =	sst s5  }
0xe: {  	[smem:$0x3FAD] =	sst s6  }
0xf: {  	[smem:$0x3FAE] =	sst s7  }
0x10: {  	[smem:$0x3FAF] =	sst s8  }
0x11: {  	[smem:$0x3FB0] =	sst s9;
	s0 =	simm.s32 @!p0 $0x0  }
0x12: {  	s1 =	sld [smem:$0x3F96];
	s0 =	simm.s32 @p0 $0x1  }
0x13: {  	[smem:$0x3FB1] =	sst s0;
	s0 =	simm.s32 @!p1 $0x0  }
0x14: {  	s2 =	sld [smem:$0x3F95];
	s0 =	simm.s32 @p1 $0x1  }
0x15: {  	[smem:$0x3FB2] =	sst s0;
	s0 =	simm.s32 @!p2 $0x0  }
0x16: {  	s3 =	sld [smem:$0x3FDB];
	s0 =	simm.s32 @p2 $0x1  }
0x17: {  	s4 =	simm.s32 $0x1BF5;
	[smem:$0x3FB4] =	sst s0  }
0x18: {  	s0 =	sld [smem:$0x3F97];
	_ =	swait.ge [sflag:s4], $0x0  }
0x19: {  	s7 =	sld [smem:$0x3F98]  }
0x1a: {  	s8 =	sadd.s32 $0xFFFFE003, lr  }
0x1b: {  	s9 =	sadd.s32 $0xFFFFFEF7, lr;
	s5 =	simm.s32 $0xFFFFFFFF;
	p2 =	slt.u32 s8, $0xFFFFF086  }
0x1c: {  	p1 =	slt.u32 s9, $0xF7A;
	s5 =	simm.s32 @!p2 $0x0  }
0x1d: {  	s5 =	simm.s32 @p1 $0x1;
	p0 =	seq.s32 s7, s2  }
0x1e: {  	s7 =	smul.u32 @!p0 $0xF7A, s2;
	p2 =	seq.s32 @!p0 s5, $0x0  }
0x1f: {  	s9 =	smul.u32 $0xF7A, s1;
	s8 =	simm.s32 @!p0 $0x1BF5;
	p2 =	por !p2, p0  }
0x20: {  	[sflag:s8] =	ssyncset.s32 @!p0 $0xFFFFF086;
	s6 =	sadd.s32 @!p0 s3, s7;
	s7 =	simm.s32 @!p0 $0x108  }
0x21: {  	s3 =	sadd.s32 s3, s9;
	s6 =	sadd.s32 @!p0 $0x88, s6;
	s7 =	simm.s32 @p2 $0x1082  }
0x22: {  	[simem:s7], [sflag:s8] =	dma.local @!p0 [hbm:s6], $0xF7A  }
0x23: {  	s9 =	sor.u32 $0xD0000000, s2;
	s6 =	simm.s32 $0x108;
	_ =	swait.ge @!p0 [sflag:s8], $0x0  }
0x24: {  	s3 =	sadd.s32 $0x88, s3;
	s6 =	simm.s32 @!p1 $0x1082;
	[sflag:s4] =	ssyncset.s32 $0xFFFFF086  }
0x25: {  	[simem:s6], [sflag:s4] =	dma.local [hbm:s3], $0xF7A  }
0x26: {  	[smem:$0x3F98] =	sst s1;
	(tag) =	ssettag s2;
	_ =	strace s9  }
0x27: {  	s1 =	sld [smem:$0x3FA8]  }
0x28: {  	s2 =	sld [smem:$0x3FA9]  }
0x29: {  	s4 =	sld [smem:$0x3FAB]  }
0x2a: {  	p0 =	seq.s32 s5, $0x0;
	s5 =	sld [smem:$0x3FAC]  }
0x2b: {  	s6 =	sld [smem:$0x3FAD]  }
0x2c: {  	s7 =	sld [smem:$0x3FAE]  }
0x2d: {  	s3 =	simm.s32 $0x108;
	s8 =	sld [smem:$0x3FAF]  }
0x2e: {  	s3 =	simm.s32 @!p0 $0x1082;
	s9 =	sld [smem:$0x3FB0]  }
0x2f: {  	lr =	sadd.s32 s0, s3;
	s0 =	sld [smem:$0x3FA7]  }
0x30: {  	s3 =	sld [smem:$0x3FAA]  }
0x31: {  	[smem:$0x3FB3] =	sst s10  }
0x32: {  	s10 =	sld [smem:$0x3FB1];
	_ =	sdelay $0x3  }
0x33: {  	p0 =	seq.s32 s10, $0x1;
	s10 =	sld [smem:$0x3FB3];
	_ =	sdelay $0x3  }
0x34: {  	[smem:$0x3FB3] =	sst s10  }
0x35: {  	s10 =	sld [smem:$0x3FB2];
	_ =	sdelay $0x3  }
0x36: {  	p1 =	seq.s32 s10, $0x1;
	s10 =	sld [smem:$0x3FB3];
	_ =	sdelay $0x3  }
0x37: {  	[smem:$0x3FB3] =	sst s10  }
0x38: {  	s10 =	sld [smem:$0x3FB4]  }
0x39: {  	_ = 	snop;
	(pc) =	sbr.ind lr, $3  }
0x3a: {  	_ = 	snop  }
0x3b: {  	_ = 	snop  }
0x3c: {  	p2 =	seq.s32 s10, $0x1;
	s10 =	sld [smem:$0x3FB3]  }
0x3d: {  	_ =	shalt  }
0x3e: {  	_ =	shalt  }
0x3f: {  	_ =	shalt  }
0x40: {  	_ =	shalt  }
0x41: {  	_ =	shalt  }
0x42: {  	_ =	shalt  }
0x43: {  	_ =	shalt  }
0x44: {  	_ =	shalt  }
0x45: {  	_ =	shalt  }
0x46: {  	_ =	shalt  }
0x47: {  	_ =	shalt  }
0x48: {  	_ =	shalt  }
0x49: {  	_ =	shalt  }
0x4a: {  	_ =	shalt  }
0x4b: {  	_ =	shalt  }
0x4c: {  	_ =	shalt  }
0x4d: {  	_ =	shalt  }
0x4e: {  	_ =	shalt  }
0x4f: {  	_ =	shalt  }
0x50: {  	_ =	shalt  }
0x51: {  	_ =	shalt  }
0x52: {  	_ =	shalt  }
0x53: {  	_ =	shalt  }
0x54: {  	_ =	shalt  }
0x55: {  	_ =	shalt  }
0x56: {  	_ =	shalt  }
0x57: {  	_ =	shalt  }
0x58: {  	_ =	shalt  }
0x59: {  	_ =	shalt  }
0x5a: {  	_ =	shalt  }
0x5b: {  	_ =	shalt  }
0x5c: {  	_ =	shalt  }
0x5d: {  	_ =	shalt  }
0x5e: {  	_ =	shalt  }
0x5f: {  	_ =	shalt  }
0x60: {  	_ =	shalt  }
0x61: {  	_ =	shalt  }
0x62: {  	_ =	shalt  }
0x63: {  	_ =	shalt  }
0x64: {  	_ =	shalt  }
0x65: {  	_ =	shalt  }
0x66: {  	_ =	shalt  }
0x67: {  	_ =	shalt  }
0x68: {  	_ =	shalt  }
0x69: {  	_ =	shalt  }
0x6a: {  	_ =	shalt  }
0x6b: {  	_ =	shalt  }
0x6c: {  	_ =	shalt  }
0x6d: {  	_ =	shalt  }
0x6e: {  	_ =	shalt  }
0x6f: {  	_ =	shalt  }
0x70: {  	_ =	shalt  }
0x71: {  	_ =	shalt  }
0x72: {  	_ =	shalt  }
0x73: {  	_ =	shalt  }
0x74: {  	_ =	shalt  }
0x75: {  	_ =	shalt  }
0x76: {  	_ =	shalt  }
0x77: {  	_ =	shalt  }
0x78: {  	_ =	shalt  }
0x79: {  	_ =	shalt  }
0x7a: {  	_ =	shalt  }
0x7b: {  	_ =	shalt  }
0x7c: {  	_ =	shalt  }
0x7d: {  	_ =	shalt  }
0x7e: {  	_ =	shalt  }
0x7f: {  	_ =	shalt  }
0x80: {  	_ =	shalt  }
0x81: {  	_ =	shalt  }
0x82: {  	_ =	shalt  }
0x83: {  	_ =	shalt  }
0x84: {  	_ =	shalt  }
0x85: {  	_ =	shalt  }
0x86: {  	_ =	shalt  }
0x87: {  	_ =	shalt  }
.Lfunc_end0:
.L_simem_size_0:
called_computation.1_lowered:
.L_overlay_start_0:
0x88: {  	s2 =	sld [smem:$0x3FD9]  }
0x89: {  	s3 =	sld [smem:$0x3FFE];
	_ =	sdelay $0x1  }
0x8a: {  	s1 =	srdreg.scid  }
0x8b: {  	s0 =	sand.u32 $0x1, s1  }
0x8c: {  	s16 =	sshll.u32 s0, $0xA;
	s2 =	sadd.s32 s3, s2  }
0x8d: {  	s2 =	sadd.s32 s2, s16  }
0x8e: {  	[smem:$0x3FBF] =	sst s2  }
0x8f: {  	_ = 	snop  }
0x90: {  	(tm) =	ssettm $0x1  }
0x91: {  	s17 =	sld [smem:$0x3FFB];
	_ =	sdelay $0x3  }
0x92: {  	_ =	strace s17  }
0x93: {  	s2 =	sld [smem:$0x3FFC];
	_ =	sdelay $0x3  }
0x94: {  	_ =	strace s2  }
0x95: {  	s2 =	sld [smem:$0x3FFD];
	_ =	sdelay $0x3  }
0x96: {  	_ =	strace s2  }
0x97: {  	_ =	strace $0x8FFFFFFF  }
0x98: {  	s18 =	sld [smem:$0x3FDB];
	_ =	sdelay $0x1  }
0x99: {  	s19 =	simm.s32 $_scs_section_size  }
0x9a: {  	s4 =	simm.s32 $_size__tile_overlayer_lowered;
	s5 =	simm.s32 $_tile_overlayer_lowered  }
0x9b: {  	s22 =	simm.s32 $0x1BFF;
	s21 =	sshll.u32 s5, $0x1;
	s2 =	sadd.s32 s19, s18  }
0x9c: {  	s6 =	simm.s32 $0x0;
	s20 =	sshll.u32 s4, $0x1;
	s4 =	sadd.s32 s21, s2  }
0x9d: {  	[timem:s6], [sflag:s22] =	dma.local [hbm:s4], s20  }
0x9e: {  	_ =	swait.ge [sflag:s22], s20  }
0x9f: {  	s3 =	ssub.s32 $0x0, s20;
	[sflag:s22] =	ssyncset.done $0x0  }
0xa0: {  	[sflag:s22] =	ssyncadd.s32 s3;
	_ =	sdelay $0x1  }
0xa1: {  	s23 =	simm.s32 $0x1B8B  }
0xa2: {  	_ =	swait.ge [sflag:s23], $0x1  }
0xa3: {  	[sflag:s23] =	ssyncset.done $0x0  }
0xa4: {  	s25 =	simm.s32 $0x1B8E;
	s24 =	sld [smem:$0x3FFE];
	[sflag:s23] =	ssyncadd.s32 $0xFFFFFFFF  }
0xa5: {  	s26 =	simm.s32 $execute0_lowered;
	[smem:$0x3FD2] =	sst s25  }
0xa6: {  	s4 =	sshll.u32 s26, $0x1;
	_ =	strace $0x80000049;
	[dreg:$0x1] =	wrdreg $0xFFFFFFFF  }
0xa7: {  	s28 =	simm.s32 $_size_execute0_lowered;
	s2 =	sadd.s32 s2, s4;
	[dreg:$0x0] =	wrdreg $0x0  }
0xa8: {  	s4 =	sshll.u32 s28, $0x1;
	[dreg:$0x2] =	wrdreg s2  }
0xa9: {  	[dreg:$0x3] =	wrdreg s4  }
0xaa: {  	[dreg:$0x4] =	wrdreg $0xC0  }
0xab: {  	_ =	task [dreg:s6], $0x5FFFF  }
0xac: {  	[dreg:$0x1] =	wrdreg $0xFFFFFFFF  }
0xad: {  	[dreg:$0x0] =	wrdreg $0x60  }
0xae: {  	[dreg:$0x2] =	wrdreg s24  }
0xaf: {  	[dreg:$0x3] =	wrdreg $0xB7800  }
0xb0: {  	[dreg:$0x4] =	wrdreg $0x9  }
0xb1: {  	_ =	task.clear_ibuf [dreg:s6], $0x5FFFF;
	_ =	strace $0x90000049  }
0xb2: {  	s29 =	simm.s32 $0x9;
	_ =	strace $0x8000004B  }
0xb3: {  	_ =	swait.ge [sflag:s29], $0x1  }
0xb4: {  	[sflag:s29] =	ssyncadd.s32 $0xFFFFFFFF  }
0xb5: {  	_ =	strace $0x9000004B  }
0xb6: {  	_ =	sfence  }
0xb7: {  	s30 =	sld [smem:$0x0];
	_ =	sdelay $0x2  }
0xb8: {  	s31 =	sshll.u32 s1, $0xD;
	s1 =	sshrl.u32 s1, $0x2  }
0xb9: {  	s3 =	sand.u32 $0x4000, s31;
	s1 =	sadd.s32 s1, s30  }
0xba: {  	s0 =	sor.u32 s3, s0;
	s1 =	sshll.u32 s1, $0x11  }
0xbb: {  	s0 =	sor.u32 s1, s0  }
0xbc: {  	s0 =	sadd.s32 $0x8F2B, s0  }
0xbd: {  	[sflag:s0] =	ssyncadd.remote.s32 $0x1  }
0xbe: {  	_ =	sfence.sel $0xFFFF  }
0xbf: {  	[dreg:$0x0] =	wrdreg $0xFFFFFFFF;
	(pc) =	sbr.abs _section_cstart, $3  }
0xc0: {  	[dreg:$0x1] =	wrdreg $0xFFFFFFFF  }
0xc1: {  	_ =	task.clear_ibuf [dreg:s6], $0x2FFFF;
	_ =	strace $0x9FFFFFFF  }
0xc2: {  	(tm) =	ssettm $0x7FFFFFFF  }
0xc3: {  	_ =	shalt  }
tec
execute0_lowered:
.L_overlay_start_1:
0x0: {  	(tag) =	ssettag $0x1  }
0x1: {  	s6 =	rddreg [dreg:$0x0];
	s1 =	srdreg.scid  }
0x2: {  	s0 =	stileid.u32;
	s2 =	rddreg [dreg:$0x1]  }
0x3: {  	s3 =	simm.s32 $0x0;
	s16 =	simm.s32 $0x50;
	s17 =	simm.s32 $0x6780  }
0x4: {  	s18 =	simm.s32 $0x1;
	s19 =	simm.s32 $0x8F80;
	s20 =	simm.s32 $0x2  }
0x5: {  	s21 =	simm.s32 $0x26C0;
	s22 =	simm.s32 $0x6500;
	s23 =	simm.s32 $0x6580  }
0x6: {  	s24 =	simm.s32 $0x0;
	s7 =	sand.u32 $0x1, s1;
	s1 =	rddreg [dreg:$0x2]  }
0x7: {  	s4 =	sshll.u32 s0, $0x1;
	[smem:$0x7FF] =	sst s3;
	s11 =	smul.u32 $0x4E000, s0  }
0x8: {  	s12 =	sadd.s32 $0x5A200, s6;
	s29 =	smul.u32 $0x13800, s0;
	s15 =	sadd.s32 $0x124800, s2  }
0x9: {  	p0 =	seq.s32 s0, $0xF;
	s4 =	sor.u32 s7, s4;
	s13 =	smul.u32 $0x138800, s7  }
0xa: {  	_ =	strace $0x8000004A;
	s10 =	ssub.s32 $0x2, s7;
	s5 =	smul.u32 $0x4E2, s4  }
0xb: {  	s8 =	sshll.u32 s4, $0xB;
	s4 =	sadd.s32 $0x33000, s6;
	s26 =	sshrl.u32 s10, $0x1  }
0xc: {  	s28 =	sshrl.u32 s11, $0x2;
	s11 =	sshrl.u32 @p0 s15, $0x3;
	s15 =	simm.s32 $0x2780  }
0xd: {  	s8 =	sadd.s32 s8, s6;
	s10 =	ssub.s32 s10, s26;
	s14 =	sadd.s32 s28, s2  }
0xe: {  	s30 =	sadd.s32 s29, s13;
	s31 =	sshrl.u32 s13, $0x3;
	s9 =	sadd.s32 s5, s6  }
0xf: {  	s5 =	sadd.s32 $0x16800, s6;
	s7 =	sadd.s32 $0x23000, s8;
	s8 =	sshrl.u32 s30, $0x3  }
0x10: {  	s10 =	smax.u32 s10, $0x1;
	s13 =	sshrl.u32 @!p0 s14, $0x3;
	s6 =	sadd.s32 $0xCA00, s9  }
0x11: {  	s9 =	sadd.s32 s12, s31;
	s8 =	sadd.s32 s12, s8;
	s12 =	sshll.u32 @!p0 s0, $0x6  }
0x12: {  	s14 =	simm.s32 $0x3;
	s9 =	sadd.s32 $0x24900, s9;
	s12 =	sor.u32 @!p0 $0x1C03, s12  }
.LBB2_1:
0x13: {  	s25 =	simm.s32 @p0 $0x1FC3  }
0x14: {  	[spmem:s11], [sflag:s25] =	dma.local @p0 [hbm:s5], $0x2800  }
0x15: {  	s25 =	simm.s32 @p0 $0x3  }
0x16: {  	_ =	swait.ge @p0 [sflag:s25], $0x2800  }
0x17: {  	[sflag:s25] =	ssyncset.done @p0 $0x0  }
0x18: {  	[sflag:s25] =	ssyncadd.s32 @p0 $0xFFFFD800;
	s25 =	simm.s32 @!p0 $0x3  }
0x19: {  	[spmem:s13], [sflag:s12] =	dma.local @!p0 [hbm:s5], $0x2700  }
0x1a: {  	_ =	swait.ge @!p0 [sflag:s25], $0x2700  }
0x1b: {  	[sflag:s25] =	ssyncset.done @!p0 $0x0  }
0x1c: {  	[sflag:s25] =	ssyncadd.s32 @!p0 $0xFFFFD900  }
0x1d: {  	[tilespmem:s3], [sflag:$0x3] =	stream.linear.gather [hbm4b:s6+s3], $0x2710, $0x38;
	[tilespmem:$0x1F000] =	vst v63  }
0x1e: {  	_ =	swait.ge [sflag:s14], $0x2710  }
0x1f: {  	[sflag:s14] =	ssyncset.done $0x0  }
0x20: {  	[sflag:s14] =	ssyncadd.s32 $0xFFFFD8F0  }
0x21: {  	[tilespmem:s15], [sflag:$0x3] =	stream.linear.gather [hbm4b:s7+s3], $0x3E80, $0x38;
	[tilespmem:$0x1F000] =	vst v63  }
0x22: {  	_ =	swait.ge [sflag:s14], $0x3E80  }
0x23: {  	[sflag:s14] =	ssyncset.done $0x0  }
0x24: {  	[sflag:s14] =	ssyncadd.s32 $0xFFFFC180  }
0x25: {  	[bflag:$0x0] =	sbarrier.arrive $0xFFFF  }
0x26: {  	[tilespmem:s17], [sflag:$0x1] =	stream.indirect.gather [hbm4b:s4+s16], $0x80, s3, s16, $0xb8;
	[tilespmem:$0x1F000] =	vst v63  }
0x27: {  	_ =	swait.ge [sflag:s18], $0x2800  }
0x28: {  	[sflag:s18] =	ssyncset.done $0x0  }
0x29: {  	[sflag:s18] =	ssyncadd.s32 $0xFFFFD800  }
0x2a: {  	[tilespmem:s19], [sflag:$0x2] =	stream.indirect.gather [hbm4b:s4+s16], $0x80, s16, s16, $0xb8;
	[tilespmem:$0x1F000] =	vst v63  }
0x2b: {  	_ = 	snop  }
0x2c: {  	[spmem:s2] =	stream.indirect.scatter.add.f32 [tilespmem:s17], [sflag:$0x3], $0x80, s15, s16, $0xb8;
	[tilespmem:$0x1F000] =	vst v63  }
0x2d: {  	_ =	swait.ge [sflag:s14], $0x2800  }
0x2e: {  	[sflag:s14] =	ssyncset.done $0x0  }
0x2f: {  	[sflag:s14] =	ssyncadd.s32 $0xFFFFD800  }
0x30: {  	_ =	swait.ge [sflag:s20], $0x2800  }
0x31: {  	[sflag:s20] =	ssyncset.done $0x0  }
0x32: {  	s30 =	simm.s32 $0xA0;
	[sflag:s20] =	ssyncadd.s32 $0xFFFFD800  }
0x33: {  	[tilespmem:s17], [sflag:$0x1] =	stream.indirect.gather [hbm4b:s4+s16], $0x80, s30, s16, $0xb8;
	[tilespmem:$0x1F000] =	vst v63  }
0x34: {  	s25 =	simm.s32 $0x2800  }
0x35: {  	[spmem:s2] =	stream.indirect.scatter.add.f32 [tilespmem:s19], [sflag:$0x3], $0x80, s25, s16, $0xb8;
	[tilespmem:$0x1F000] =	vst v63  }
0x36: {  	_ =	swait.ge [sflag:s14], $0x2800  }
0x37: {  	[sflag:s14] =	ssyncset.done $0x0  }
0x38: {  	[sflag:s14] =	ssyncadd.s32 $0xFFFFD800  }
0x39: {  	_ =	swait.ge [sflag:s18], $0x2800  }
0x3a: {  	[sflag:s18] =	ssyncset.done $0x0  }
0x3b: {  	s26 =	simm.s32 $0xF0;
	[sflag:s18] =	ssyncadd.s32 $0xFFFFD800  }
0x3c: {  	[tilespmem:s19], [sflag:$0x2] =	stream.indirect.gather [hbm4b:s4+s16], $0x80, s26, s16, $0xb8;
	[tilespmem:$0x1F000] =	vst v63  }
0x3d: {  	s31 =	simm.s32 $0x2880  }
0x3e: {  	[spmem:s2] =	stream.indirect.scatter.add.f32 [tilespmem:s17], [sflag:$0x3], $0x80, s31, s16, $0xb8;
	[tilespmem:$0x1F000] =	vst v63  }
0x3f: {  	_ =	swait.ge [sflag:s14], $0x2800  }
0x40: {  	s26 =	simm.s32 $0xFFFF6A00;
	[sflag:s14] =	ssyncset.done $0x0  }
.LBB2_2:
0x41: {  	p1 =	sne.s32 s26, $0xFFFFFD80;
	[sflag:s14] =	ssyncadd.s32 $0xFFFFD800;
	s25 =	sadd.s32 $0x100, s25  }
0x42: {  	s28 =	smov.u32 s26;
	s26 =	sadd.s32 $0x280, s26  }
0x43: {  	_ =	swait.ge [sflag:s20], $0x2800  }
0x44: {  	s28 =	sshra.s32 s28, $0x2;
	[sflag:s20] =	ssyncset.done $0x0  }
0x45: {  	s29 =	sadd.s32 $0x26C0, s28;
	[sflag:s20] =	ssyncadd.s32 $0xFFFFD800  }
0x46: {  	[tilespmem:s17], [sflag:$0x1] =	stream.indirect.gather [hbm4b:s4+s16], $0x80, s29, s16, $0xb8;
	[tilespmem:$0x1F000] =	vst v63  }
0x47: {  	_ = 	snop  }
0x48: {  	[spmem:s2] =	stream.indirect.scatter.add.f32 [tilespmem:s19], [sflag:$0x3], $0x80, s25, s16, $0xb8;
	[tilespmem:$0x1F000] =	vst v63  }
0x49: {  	_ =	swait.ge [sflag:s14], $0x2800  }
0x4a: {  	[sflag:s14] =	ssyncset.done $0x0  }
0x4b: {  	[sflag:s14] =	ssyncadd.s32 $0xFFFFD800  }
0x4c: {  	_ =	swait.ge [sflag:s18], $0x2800  }
0x4d: {  	[sflag:s18] =	ssyncset.done $0x0  }
0x4e: {  	s28 =	sadd.s32 $0x2710, s28;
	[sflag:s18] =	ssyncadd.s32 $0xFFFFD800  }
0x4f: {  	[tilespmem:s19], [sflag:$0x2] =	stream.indirect.gather [hbm4b:s4+s16], $0x80, s28, s16, $0xb8;
	[tilespmem:$0x1F000] =	vst v63  }
.Ltmp0:
0x50: {  	_ = 	snop;
	(pc) =	sbr.rel @p1 .LBB2_2-.Ltmp0, $4  }
0x51: {  	s28 =	sadd.s32 $0x80, s25  }
0x52: {  	[spmem:s2] =	stream.indirect.scatter.add.f32 [tilespmem:s17], [sflag:$0x3], $0x80, s28, s16, $0xb8;
	[tilespmem:$0x1F000] =	vst v63  }
0x53: {  	_ =	swait.ge [sflag:s14], $0x2800  }
0x54: {  	[sflag:s14] =	ssyncset.done $0x0  }
0x55: {  	[sflag:s14] =	ssyncadd.s32 $0xFFFFD800  }
0x56: {  	_ =	swait.ge [sflag:s20], $0x2800  }
0x57: {  	[sflag:s20] =	ssyncset.done $0x0  }
0x58: {  	[sflag:s20] =	ssyncadd.s32 $0xFFFFD800  }
0x59: {  	[tilespmem:s17], [sflag:$0x1] =	stream.indirect.gather [hbm4b:s4+s16], $0x80, s21, s16, $0xb8;
	[tilespmem:$0x1F000] =	vst v63  }
0x5a: {  	_ = 	snop  }
0x5b: {  	[spmem:s2] =	stream.indirect.scatter.add.f32 [tilespmem:s19], [sflag:$0x3], $0x80, s22, s16, $0xb8;
	[tilespmem:$0x1F000] =	vst v63  }
0x5c: {  	_ =	swait.ge [sflag:s14], $0x2800  }
0x5d: {  	[sflag:s14] =	ssyncset.done $0x0  }
0x5e: {  	[sflag:s14] =	ssyncadd.s32 $0xFFFFD800  }
0x5f: {  	_ =	swait.ge [sflag:s18], $0x2800  }
0x60: {  	[sflag:s18] =	ssyncset.done $0x0  }
0x61: {  	[sflag:s18] =	ssyncadd.s32 $0xFFFFD800  }
0x62: {  	[spmem:s2] =	stream.indirect.scatter.add.f32 [tilespmem:s17], [sflag:$0x3], $0x80, s23, s16, $0xb8;
	[tilespmem:$0x1F000] =	vst v63  }
0x63: {  	_ =	swait.ge [sflag:s14], $0x2800  }
0x64: {  	[sflag:s14] =	ssyncset.done $0x0  }
0x65: {  	[sflag:s14] =	ssyncadd.s32 $0xFFFFD800  }
0x66: {  	s25 =	simm.s32 @p0 $0x1FC3;
	[bflag:$0x0] =	sbarrier.arrive $0xFFFF  }
0x67: {  	[hbm:s9], [sflag:s25] =	dma.local @p0 [spmem:s11], $0x2800  }
0x68: {  	s25 =	simm.s32 @p0 $0x3  }
0x69: {  	s24 =	sadd.s32 $0x1, s24;
	_ =	swait.ge @p0 [sflag:s25], $0x2800  }
0x6a: {  	p1 =	sne.s32 s24, s10;
	[sflag:s25] =	ssyncset.done @p0 $0x0  }
.Ltmp1:
0x6b: {  	[sflag:s25] =	ssyncadd.s32 @p0 $0xFFFFD800;
	s25 =	simm.s32 @!p0 $0x3;
	(pc) =	sbr.rel @p1 .LBB2_1-.Ltmp1, $4  }
0x6c: {  	[hbm:s8], [sflag:s12] =	dma.local @!p0 [spmem:s13], $0x2700  }
0x6d: {  	_ =	swait.ge @!p0 [sflag:s25], $0x2700  }
0x6e: {  	[sflag:s25] =	ssyncset.done @!p0 $0x0  }
0x6f: {  	[sflag:s25] =	ssyncadd.s32 @!p0 $0xFFFFD900  }
0x70: {  	_ =	sfence.sel $0x180000  }
0x71: {  	[bflag:$0x0] =	sbarrier.arrive $0xFFFF  }
0x72: {  	p0 =	sne.s32 s0, $0x0;
	_ =	strace $0x9000004A  }
0x73: {  	s0 =	sadd.s32 @!p0 $0x100000, s1;
	[bflag:$0x2] =	sbarrier.arrive $0xFFFF  }
0x74: {  	[sflag:s0] =	ssyncadd.tile.s32 @!p0 $0x1;
	_ =	shalt  }
.Lfunc_end2:
_tile_overlayer_lowered:
.L_overlay_start_2:
0x75: {  	(tag) =	ssettag $0x2  }
0x76: {  	s0 =	rddreg [dreg:$0x0];
	s2 =	stileid.u32  }
0x77: {  	s1 =	rddreg [dreg:$0x1];
	p0 =	sne.s32 s2, $0x0  }
0x78: {  	s3 =	rddreg [dreg:$0x2];
	[bflag:$0x3] =	sbarrier.arrive $0xFFFF;
	s2 =	simm.s32 @!p0 $0x1C03  }
0x79: {  	[timem:s3], [sflag:s2] =	dma.local @!p0 [hbm:s0], s1  }
0x7a: {  	s0 =	simm.s32 @!p0 $0x3  }
0x7b: {  	_ =	swait.ge @!p0 [sflag:s0], s1  }
0x7c: {  	s1 =	ssub.s32 @!p0 $0x0, s1;
	[sflag:s0] =	ssyncset.done @!p0 $0x0  }
0x7d: {  	[sflag:s0] =	ssyncadd.s32 @!p0 s1  }
0x7e: {  	[bflag:$0x3] =	sbarrier.arrive $0xFFFF  }
0x7f: {  	_ =	shalt  }

// kernel: kernel.14.cloned.1.call-start
scs
__scs_entry_jumppad:
0x0: {  	(pc) =	sbr.rel $0x88, $3  }
0x1: {  	(tag) =	ssettag $0x0;
	lr =	simm.s32 $0x1  }
0x2: {  	[smem:$0x3F98] =	sst lr;
	_ =	strace $0xD0000000  }
0x3: {  	_ = 	snop  }
0x4: {  	_ = 	snop  }
0x5: {  	_ = 	snop  }
0x6: {  	_ = 	snop  }
0x7: {  	_ = 	snop  }
__scs_overlays_trampoline_lowered:
0x8: {  	[smem:$0x3FA7] =	sst s0  }
0x9: {  	[smem:$0x3FA8] =	sst s1  }
0xa: {  	[smem:$0x3FA9] =	sst s2  }
0xb: {  	[smem:$0x3FAA] =	sst s3  }
0xc: {  	[smem:$0x3FAB] =	sst s4  }
0xd: {  	[smem:$0x3FAC] =	sst s5  }
0xe: {  	[smem:$0x3FAD] =	sst s6  }
0xf: {  	[smem:$0x3FAE] =	sst s7  }
0x10: {  	[smem:$0x3FAF] =	sst s8  }
0x11: {  	[smem:$0x3FB0] =	sst s9;
	s0 =	simm.s32 @!p0 $0x0  }
0x12: {  	s1 =	sld [smem:$0x3F96];
	s0 =	simm.s32 @p0 $0x1  }
0x13: {  	[smem:$0x3FB1] =	sst s0;
	s0 =	simm.s32 @!p1 $0x0  }
0x14: {  	s2 =	sld [smem:$0x3F95];
	s0 =	simm.s32 @p1 $0x1  }
0x15: {  	[smem:$0x3FB2] =	sst s0;
	s0 =	simm.s32 @!p2 $0x0  }
0x16: {  	s3 =	sld [smem:$0x3FDB];
	s0 =	simm.s32 @p2 $0x1  }
0x17: {  	s4 =	simm.s32 $0x1BF5;
	[smem:$0x3FB4] =	sst s0  }
0x18: {  	s0 =	sld [smem:$0x3F97];
	_ =	swait.ge [sflag:s4], $0x0  }
0x19: {  	s7 =	sld [smem:$0x3F98]  }
0x1a: {  	s8 =	sadd.s32 $0xFFFFE003, lr  }
0x1b: {  	s9 =	sadd.s32 $0xFFFFFEF7, lr;
	s5 =	simm.s32 $0xFFFFFFFF;
	p2 =	slt.u32 s8, $0xFFFFF086  }
0x1c: {  	p1 =	slt.u32 s9, $0xF7A;
	s5 =	simm.s32 @!p2 $0x0  }
0x1d: {  	s5 =	simm.s32 @p1 $0x1;
	p0 =	seq.s32 s7, s2  }
0x1e: {  	s7 =	smul.u32 @!p0 $0xF7A, s2;
	p2 =	seq.s32 @!p0 s5, $0x0  }
0x1f: {  	s9 =	smul.u32 $0xF7A, s1;
	s8 =	simm.s32 @!p0 $0x1BF5;
	p2 =	por !p2, p0  }
0x20: {  	[sflag:s8] =	ssyncset.s32 @!p0 $0xFFFFF086;
	s6 =	sadd.s32 @!p0 s3, s7;
	s7 =	simm.s32 @!p0 $0x108  }
0x21: {  	s3 =	sadd.s32 s3, s9;
	s6 =	sadd.s32 @!p0 $0x88, s6;
	s7 =	simm.s32 @p2 $0x1082  }
0x22: {  	[simem:s7], [sflag:s8] =	dma.local @!p0 [hbm:s6], $0xF7A  }
0x23: {  	s9 =	sor.u32 $0xD0000000, s2;
	s6 =	simm.s32 $0x108;
	_ =	swait.ge @!p0 [sflag:s8], $0x0  }
0x24: {  	s3 =	sadd.s32 $0x88, s3;
	s6 =	simm.s32 @!p1 $0x1082;
	[sflag:s4] =	ssyncset.s32 $0xFFFFF086  }
0x25: {  	[simem:s6], [sflag:s4] =	dma.local [hbm:s3], $0xF7A  }
0x26: {  	[smem:$0x3F98] =	sst s1;
	(tag) =	ssettag s2;
	_ =	strace s9  }
0x27: {  	s1 =	sld [smem:$0x3FA8]  }
0x28: {  	s2 =	sld [smem:$0x3FA9]  }
0x29: {  	s4 =	sld [smem:$0x3FAB]  }
0x2a: {  	p0 =	seq.s32 s5, $0x0;
	s5 =	sld [smem:$0x3FAC]  }
0x2b: {  	s6 =	sld [smem:$0x3FAD]  }
0x2c: {  	s7 =	sld [smem:$0x3FAE]  }
0x2d: {  	s3 =	simm.s32 $0x108;
	s8 =	sld [smem:$0x3FAF]  }
0x2e: {  	s3 =	simm.s32 @!p0 $0x1082;
	s9 =	sld [smem:$0x3FB0]  }
0x2f: {  	lr =	sadd.s32 s0, s3;
	s0 =	sld [smem:$0x3FA7]  }
0x30: {  	s3 =	sld [smem:$0x3FAA]  }
0x31: {  	[smem:$0x3FB3] =	sst s10  }
0x32: {  	s10 =	sld [smem:$0x3FB1];
	_ =	sdelay $0x3  }
0x33: {  	p0 =	seq.s32 s10, $0x1;
	s10 =	sld [smem:$0x3FB3];
	_ =	sdelay $0x3  }
0x34: {  	[smem:$0x3FB3] =	sst s10  }
0x35: {  	s10 =	sld [smem:$0x3FB2];
	_ =	sdelay $0x3  }
0x36: {  	p1 =	seq.s32 s10, $0x1;
	s10 =	sld [smem:$0x3FB3];
	_ =	sdelay $0x3  }
0x37: {  	[smem:$0x3FB3] =	sst s10  }
0x38: {  	s10 =	sld [smem:$0x3FB4]  }
0x39: {  	_ = 	snop;
	(pc) =	sbr.ind lr, $3  }
0x3a: {  	_ = 	snop  }
0x3b: {  	_ = 	snop  }
0x3c: {  	p2 =	seq.s32 s10, $0x1;
	s10 =	sld [smem:$0x3FB3]  }
0x3d: {  	_ =	shalt  }
0x3e: {  	_ =	shalt  }
0x3f: {  	_ =	shalt  }
0x40: {  	_ =	shalt  }
0x41: {  	_ =	shalt  }
0x42: {  	_ =	shalt  }
0x43: {  	_ =	shalt  }
0x44: {  	_ =	shalt  }
0x45: {  	_ =	shalt  }
0x46: {  	_ =	shalt  }
0x47: {  	_ =	shalt  }
0x48: {  	_ =	shalt  }
0x49: {  	_ =	shalt  }
0x4a: {  	_ =	shalt  }
0x4b: {  	_ =	shalt  }
0x4c: {  	_ =	shalt  }
0x4d: {  	_ =	shalt  }
0x4e: {  	_ =	shalt  }
0x4f: {  	_ =	shalt  }
0x50: {  	_ =	shalt  }
0x51: {  	_ =	shalt  }
0x52: {  	_ =	shalt  }
0x53: {  	_ =	shalt  }
0x54: {  	_ =	shalt  }
0x55: {  	_ =	shalt  }
0x56: {  	_ =	shalt  }
0x57: {  	_ =	shalt  }
0x58: {  	_ =	shalt  }
0x59: {  	_ =	shalt  }
0x5a: {  	_ =	shalt  }
0x5b: {  	_ =	shalt  }
0x5c: {  	_ =	shalt  }
0x5d: {  	_ =	shalt  }
0x5e: {  	_ =	shalt  }
0x5f: {  	_ =	shalt  }
0x60: {  	_ =	shalt  }
0x61: {  	_ =	shalt  }
0x62: {  	_ =	shalt  }
0x63: {  	_ =	shalt  }
0x64: {  	_ =	shalt  }
0x65: {  	_ =	shalt  }
0x66: {  	_ =	shalt  }
0x67: {  	_ =	shalt  }
0x68: {  	_ =	shalt  }
0x69: {  	_ =	shalt  }
0x6a: {  	_ =	shalt  }
0x6b: {  	_ =	shalt  }
0x6c: {  	_ =	shalt  }
0x6d: {  	_ =	shalt  }
0x6e: {  	_ =	shalt  }
0x6f: {  	_ =	shalt  }
0x70: {  	_ =	shalt  }
0x71: {  	_ =	shalt  }
0x72: {  	_ =	shalt  }
0x73: {  	_ =	shalt  }
0x74: {  	_ =	shalt  }
0x75: {  	_ =	shalt  }
0x76: {  	_ =	shalt  }
0x77: {  	_ =	shalt  }
0x78: {  	_ =	shalt  }
0x79: {  	_ =	shalt  }
0x7a: {  	_ =	shalt  }
0x7b: {  	_ =	shalt  }
0x7c: {  	_ =	shalt  }
0x7d: {  	_ =	shalt  }
0x7e: {  	_ =	shalt  }
0x7f: {  	_ =	shalt  }
0x80: {  	_ =	shalt  }
0x81: {  	_ =	shalt  }
0x82: {  	_ =	shalt  }
0x83: {  	_ =	shalt  }
0x84: {  	_ =	shalt  }
0x85: {  	_ =	shalt  }
0x86: {  	_ =	shalt  }
0x87: {  	_ =	shalt  }
.Lfunc_end0:
.L_simem_size_0:
called_computation.2_lowered:
.L_overlay_start_0:
0x88: {  	s2 =	sld [smem:$0x3FD9]  }
0x89: {  	s3 =	sld [smem:$0x3FFE];
	_ =	sdelay $0x1  }
0x8a: {  	s1 =	srdreg.scid  }
0x8b: {  	s0 =	sand.u32 $0x1, s1  }
0x8c: {  	s16 =	sshll.u32 s0, $0xA;
	s2 =	sadd.s32 s3, s2  }
0x8d: {  	s2 =	sadd.s32 s2, s16  }
0x8e: {  	[smem:$0x3FBF] =	sst s2  }
0x8f: {  	_ = 	snop  }
0x90: {  	(tm) =	ssettm $0x1  }
0x91: {  	s17 =	sld [smem:$0x3FFB];
	_ =	sdelay $0x3  }
0x92: {  	_ =	strace s17  }
0x93: {  	s2 =	sld [smem:$0x3FFC];
	_ =	sdelay $0x3  }
0x94: {  	_ =	strace s2  }
0x95: {  	s2 =	sld [smem:$0x3FFD];
	_ =	sdelay $0x3  }
0x96: {  	_ =	strace s2  }
0x97: {  	_ =	strace $0x8FFFFFFF  }
0x98: {  	s18 =	sld [smem:$0x3FDB];
	_ =	sdelay $0x1  }
0x99: {  	s19 =	simm.s32 $_scs_section_size  }
0x9a: {  	s4 =	simm.s32 $_size__tile_overlayer_lowered;
	s5 =	simm.s32 $_tile_overlayer_lowered  }
0x9b: {  	s22 =	simm.s32 $0x1BFF;
	s21 =	sshll.u32 s5, $0x1;
	s2 =	sadd.s32 s19, s18  }
0x9c: {  	s6 =	simm.s32 $0x0;
	s20 =	sshll.u32 s4, $0x1;
	s4 =	sadd.s32 s21, s2  }
0x9d: {  	[timem:s6], [sflag:s22] =	dma.local [hbm:s4], s20  }
0x9e: {  	_ =	swait.ge [sflag:s22], s20  }
0x9f: {  	s3 =	ssub.s32 $0x0, s20;
	[sflag:s22] =	ssyncset.done $0x0  }
0xa0: {  	[sflag:s22] =	ssyncadd.s32 s3;
	_ =	sdelay $0x1  }
0xa1: {  	s23 =	simm.s32 $0x1B8B  }
0xa2: {  	_ =	swait.ge [sflag:s23], $0x1  }
0xa3: {  	[sflag:s23] =	ssyncset.done $0x0  }
0xa4: {  	s25 =	simm.s32 $0x1B8E;
	s24 =	sld [smem:$0x3FFE];
	[sflag:s23] =	ssyncadd.s32 $0xFFFFFFFF  }
0xa5: {  	s26 =	simm.s32 $execute0_lowered;
	[smem:$0x3FD2] =	sst s25  }
0xa6: {  	s4 =	sshll.u32 s26, $0x1;
	_ =	strace $0x8000004C;
	[dreg:$0x1] =	wrdreg $0xFFFFFFFF  }
0xa7: {  	s28 =	simm.s32 $_size_execute0_lowered;
	s2 =	sadd.s32 s2, s4;
	[dreg:$0x0] =	wrdreg $0x0  }
0xa8: {  	s4 =	sshll.u32 s28, $0x1;
	[dreg:$0x2] =	wrdreg s2  }
0xa9: {  	[dreg:$0x3] =	wrdreg s4  }
0xaa: {  	[dreg:$0x4] =	wrdreg $0xC0  }
0xab: {  	_ =	task [dreg:s6], $0x5FFFF  }
0xac: {  	[dreg:$0x1] =	wrdreg $0xFFFFFFFF  }
0xad: {  	[dreg:$0x0] =	wrdreg $0x60  }
0xae: {  	[dreg:$0x2] =	wrdreg s24  }
0xaf: {  	[dreg:$0x3] =	wrdreg $0xB7800  }
0xb0: {  	[dreg:$0x4] =	wrdreg $0x9  }
0xb1: {  	_ =	task.clear_ibuf [dreg:s6], $0x5FFFF;
	_ =	strace $0x9000004C  }
0xb2: {  	s29 =	simm.s32 $0x9;
	_ =	strace $0x8000004E  }
0xb3: {  	_ =	swait.ge [sflag:s29], $0x1  }
0xb4: {  	[sflag:s29] =	ssyncadd.s32 $0xFFFFFFFF  }
0xb5: {  	_ =	strace $0x9000004E  }
0xb6: {  	_ =	sfence  }
0xb7: {  	s30 =	sld [smem:$0x0];
	_ =	sdelay $0x2  }
0xb8: {  	s31 =	sshll.u32 s1, $0xD;
	s1 =	sshrl.u32 s1, $0x2  }
0xb9: {  	s3 =	sand.u32 $0x4000, s31;
	s1 =	sadd.s32 s1, s30  }
0xba: {  	s0 =	sor.u32 s3, s0;
	s1 =	sshll.u32 s1, $0x11  }
0xbb: {  	s0 =	sor.u32 s1, s0  }
0xbc: {  	s0 =	sadd.s32 $0x8F2B, s0  }
0xbd: {  	[sflag:s0] =	ssyncadd.remote.s32 $0x1  }
0xbe: {  	_ =	sfence.sel $0xFFFF  }
0xbf: {  	[dreg:$0x0] =	wrdreg $0xFFFFFFFF;
	(pc) =	sbr.abs _section_cstart, $3  }
0xc0: {  	[dreg:$0x1] =	wrdreg $0xFFFFFFFF  }
0xc1: {  	_ =	task.clear_ibuf [dreg:s6], $0x2FFFF;
	_ =	strace $0x9FFFFFFF  }
0xc2: {  	(tm) =	ssettm $0x7FFFFFFF  }
0xc3: {  	_ =	shalt  }
tec
execute0_lowered:
.L_overlay_start_1:
0x0: {  	(tag) =	ssettag $0x1  }
0x1: {  	s6 =	rddreg [dreg:$0x0];
	s1 =	srdreg.scid  }
0x2: {  	s0 =	stileid.u32;
	s2 =	rddreg [dreg:$0x1]  }
0x3: {  	s3 =	simm.s32 $0x0;
	s16 =	simm.s32 $0x50;
	s17 =	simm.s32 $0x6780  }
0x4: {  	s18 =	simm.s32 $0x1;
	s19 =	simm.s32 $0x8F80;
	s20 =	simm.s32 $0x2  }
0x5: {  	s21 =	simm.s32 $0x26C0;
	s22 =	simm.s32 $0x6500;
	s23 =	simm.s32 $0x6580  }
0x6: {  	s24 =	simm.s32 $0x0;
	s7 =	sand.u32 $0x1, s1;
	s1 =	rddreg [dreg:$0x2]  }
0x7: {  	s4 =	sshll.u32 s0, $0x1;
	[smem:$0x7FF] =	sst s3;
	s11 =	smul.u32 $0x4E000, s0  }
0x8: {  	s12 =	sadd.s32 $0x5A200, s6;
	s29 =	smul.u32 $0x13800, s0;
	s15 =	sadd.s32 $0x124800, s2  }
0x9: {  	p0 =	seq.s32 s0, $0xF;
	s4 =	sor.u32 s7, s4;
	s13 =	smul.u32 $0x138800, s7  }
0xa: {  	_ =	strace $0x8000004D;
	s10 =	ssub.s32 $0x2, s7;
	s5 =	smul.u32 $0x4E2, s4  }
0xb: {  	s8 =	sshll.u32 s4, $0xB;
	s4 =	sadd.s32 $0x33000, s6;
	s26 =	sshrl.u32 s10, $0x1  }
0xc: {  	s28 =	sshrl.u32 s11, $0x2;
	s11 =	sshrl.u32 @p0 s15, $0x3;
	s15 =	simm.s32 $0x2780  }
0xd: {  	s8 =	sadd.s32 s8, s6;
	s10 =	ssub.s32 s10, s26;
	s14 =	sadd.s32 s28, s2  }
0xe: {  	s30 =	sadd.s32 s29, s13;
	s31 =	sshrl.u32 s13, $0x3;
	s9 =	sadd.s32 s5, s6  }
0xf: {  	s5 =	sadd.s32 $0x16800, s6;
	s7 =	sadd.s32 $0x23000, s8;
	s8 =	sshrl.u32 s30, $0x3  }
0x10: {  	s10 =	smax.u32 s10, $0x1;
	s13 =	sshrl.u32 @!p0 s14, $0x3;
	s6 =	sadd.s32 $0xCA00, s9  }
0x11: {  	s9 =	sadd.s32 s12, s31;
	s8 =	sadd.s32 s12, s8;
	s12 =	sshll.u32 @!p0 s0, $0x6  }
0x12: {  	s14 =	simm.s32 $0x3;
	s9 =	sadd.s32 $0x24900, s9;
	s12 =	sor.u32 @!p0 $0x1C03, s12  }
.LBB2_1:
0x13: {  	s25 =	simm.s32 @p0 $0x1FC3  }
0x14: {  	[spmem:s11], [sflag:s25] =	dma.local @p0 [hbm:s5], $0x2800  }
0x15: {  	s25 =	simm.s32 @p0 $0x3  }
0x16: {  	_ =	swait.ge @p0 [sflag:s25], $0x2800  }
0x17: {  	[sflag:s25] =	ssyncset.done @p0 $0x0  }
0x18: {  	[sflag:s25] =	ssyncadd.s32 @p0 $0xFFFFD800;
	s25 =	simm.s32 @!p0 $0x3  }
0x19: {  	[spmem:s13], [sflag:s12] =	dma.local @!p0 [hbm:s5], $0x2700  }
0x1a: {  	_ =	swait.ge @!p0 [sflag:s25], $0x2700  }
0x1b: {  	[sflag:s25] =	ssyncset.done @!p0 $0x0  }
0x1c: {  	[sflag:s25] =	ssyncadd.s32 @!p0 $0xFFFFD900  }
0x1d: {  	[tilespmem:s3], [sflag:$0x3] =	stream.linear.gather [hbm4b:s6+s3], $0x2710, $0x38;
	[tilespmem:$0x1F000] =	vst v63  }
0x1e: {  	_ =	swait.ge [sflag:s14], $0x2710  }
0x1f: {  	[sflag:s14] =	ssyncset.done $0x0  }
0x20: {  	[sflag:s14] =	ssyncadd.s32 $0xFFFFD8F0  }
0x21: {  	[tilespmem:s15], [sflag:$0x3] =	stream.linear.gather [hbm4b:s7+s3], $0x3E80, $0x38;
	[tilespmem:$0x1F000] =	vst v63  }
0x22: {  	_ =	swait.ge [sflag:s14], $0x3E80  }
0x23: {  	[sflag:s14] =	ssyncset.done $0x0  }
0x24: {  	[sflag:s14] =	ssyncadd.s32 $0xFFFFC180  }
0x25: {  	[bflag:$0x0] =	sbarrier.arrive $0xFFFF  }
0x26: {  	[tilespmem:s17], [sflag:$0x1] =	stream.indirect.gather [hbm4b:s4+s16], $0x80, s3, s16, $0xb8;
	[tilespmem:$0x1F000] =	vst v63  }
0x27: {  	_ =	swait.ge [sflag:s18], $0x2800  }
0x28: {  	[sflag:s18] =	ssyncset.done $0x0  }
0x29: {  	[sflag:s18] =	ssyncadd.s32 $0xFFFFD800  }
0x2a: {  	[tilespmem:s19], [sflag:$0x2] =	stream.indirect.gather [hbm4b:s4+s16], $0x80, s16, s16, $0xb8;
	[tilespmem:$0x1F000] =	vst v63  }
0x2b: {  	_ = 	snop  }
0x2c: {  	[spmem:s2] =	stream.indirect.scatter.add.f32 [tilespmem:s17], [sflag:$0x3], $0x80, s15, s16, $0xb8;
	[tilespmem:$0x1F000] =	vst v63  }
0x2d: {  	_ =	swait.ge [sflag:s14], $0x2800  }
0x2e: {  	[sflag:s14] =	ssyncset.done $0x0  }
0x2f: {  	[sflag:s14] =	ssyncadd.s32 $0xFFFFD800  }
0x30: {  	_ =	swait.ge [sflag:s20], $0x2800  }
0x31: {  	[sflag:s20] =	ssyncset.done $0x0  }
0x32: {  	s30 =	simm.s32 $0xA0;
	[sflag:s20] =	ssyncadd.s32 $0xFFFFD800  }
0x33: {  	[tilespmem:s17], [sflag:$0x1] =	stream.indirect.gather [hbm4b:s4+s16], $0x80, s30, s16, $0xb8;
	[tilespmem:$0x1F000] =	vst v63  }
0x34: {  	s25 =	simm.s32 $0x2800  }
0x35: {  	[spmem:s2] =	stream.indirect.scatter.add.f32 [tilespmem:s19], [sflag:$0x3], $0x80, s25, s16, $0xb8;
	[tilespmem:$0x1F000] =	vst v63  }
0x36: {  	_ =	swait.ge [sflag:s14], $0x2800  }
0x37: {  	[sflag:s14] =	ssyncset.done $0x0  }
0x38: {  	[sflag:s14] =	ssyncadd.s32 $0xFFFFD800  }
0x39: {  	_ =	swait.ge [sflag:s18], $0x2800  }
0x3a: {  	[sflag:s18] =	ssyncset.done $0x0  }
0x3b: {  	s26 =	simm.s32 $0xF0;
	[sflag:s18] =	ssyncadd.s32 $0xFFFFD800  }
0x3c: {  	[tilespmem:s19], [sflag:$0x2] =	stream.indirect.gather [hbm4b:s4+s16], $0x80, s26, s16, $0xb8;
	[tilespmem:$0x1F000] =	vst v63  }
0x3d: {  	s31 =	simm.s32 $0x2880  }
0x3e: {  	[spmem:s2] =	stream.indirect.scatter.add.f32 [tilespmem:s17], [sflag:$0x3], $0x80, s31, s16, $0xb8;
	[tilespmem:$0x1F000] =	vst v63  }
0x3f: {  	_ =	swait.ge [sflag:s14], $0x2800  }
0x40: {  	s26 =	simm.s32 $0xFFFF6A00;
	[sflag:s14] =	ssyncset.done $0x0  }
.LBB2_2:
0x41: {  	p1 =	sne.s32 s26, $0xFFFFFD80;
	[sflag:s14] =	ssyncadd.s32 $0xFFFFD800;
	s25 =	sadd.s32 $0x100, s25  }
0x42: {  	s28 =	smov.u32 s26;
	s26 =	sadd.s32 $0x280, s26  }
0x43: {  	_ =	swait.ge [sflag:s20], $0x2800  }
0x44: {  	s28 =	sshra.s32 s28, $0x2;
	[sflag:s20] =	ssyncset.done $0x0  }
0x45: {  	s29 =	sadd.s32 $0x26C0, s28;
	[sflag:s20] =	ssyncadd.s32 $0xFFFFD800  }
0x46: {  	[tilespmem:s17], [sflag:$0x1] =	stream.indirect.gather [hbm4b:s4+s16], $0x80, s29, s16, $0xb8;
	[tilespmem:$0x1F000] =	vst v63  }
0x47: {  	_ = 	snop  }
0x48: {  	[spmem:s2] =	stream.indirect.scatter.add.f32 [tilespmem:s19], [sflag:$0x3], $0x80, s25, s16, $0xb8;
	[tilespmem:$0x1F000] =	vst v63  }
0x49: {  	_ =	swait.ge [sflag:s14], $0x2800  }
0x4a: {  	[sflag:s14] =	ssyncset.done $0x0  }
0x4b: {  	[sflag:s14] =	ssyncadd.s32 $0xFFFFD800  }
0x4c: {  	_ =	swait.ge [sflag:s18], $0x2800  }
0x4d: {  	[sflag:s18] =	ssyncset.done $0x0  }
0x4e: {  	s28 =	sadd.s32 $0x2710, s28;
	[sflag:s18] =	ssyncadd.s32 $0xFFFFD800  }
0x4f: {  	[tilespmem:s19], [sflag:$0x2] =	stream.indirect.gather [hbm4b:s4+s16], $0x80, s28, s16, $0xb8;
	[tilespmem:$0x1F000] =	vst v63  }
.Ltmp0:
0x50: {  	_ = 	snop;
	(pc) =	sbr.rel @p1 .LBB2_2-.Ltmp0, $4  }
0x51: {  	s28 =	sadd.s32 $0x80, s25  }
0x52: {  	[spmem:s2] =	stream.indirect.scatter.add.f32 [tilespmem:s17], [sflag:$0x3], $0x80, s28, s16, $0xb8;
	[tilespmem:$0x1F000] =	vst v63  }
0x53: {  	_ =	swait.ge [sflag:s14], $0x2800  }
0x54: {  	[sflag:s14] =	ssyncset.done $0x0  }
0x55: {  	[sflag:s14] =	ssyncadd.s32 $0xFFFFD800  }
0x56: {  	_ =	swait.ge [sflag:s20], $0x2800  }
0x57: {  	[sflag:s20] =	ssyncset.done $0x0  }
0x58: {  	[sflag:s20] =	ssyncadd.s32 $0xFFFFD800  }
0x59: {  	[tilespmem:s17], [sflag:$0x1] =	stream.indirect.gather [hbm4b:s4+s16], $0x80, s21, s16, $0xb8;
	[tilespmem:$0x1F000] =	vst v63  }
0x5a: {  	_ = 	snop  }
0x5b: {  	[spmem:s2] =	stream.indirect.scatter.add.f32 [tilespmem:s19], [sflag:$0x3], $0x80, s22, s16, $0xb8;
	[tilespmem:$0x1F000] =	vst v63  }
0x5c: {  	_ =	swait.ge [sflag:s14], $0x2800  }
0x5d: {  	[sflag:s14] =	ssyncset.done $0x0  }
0x5e: {  	[sflag:s14] =	ssyncadd.s32 $0xFFFFD800  }
0x5f: {  	_ =	swait.ge [sflag:s18], $0x2800  }
0x60: {  	[sflag:s18] =	ssyncset.done $0x0  }
0x61: {  	[sflag:s18] =	ssyncadd.s32 $0xFFFFD800  }
0x62: {  	[spmem:s2] =	stream.indirect.scatter.add.f32 [tilespmem:s17], [sflag:$0x3], $0x80, s23, s16, $0xb8;
	[tilespmem:$0x1F000] =	vst v63  }
0x63: {  	_ =	swait.ge [sflag:s14], $0x2800  }
0x64: {  	[sflag:s14] =	ssyncset.done $0x0  }
0x65: {  	[sflag:s14] =	ssyncadd.s32 $0xFFFFD800  }
0x66: {  	s25 =	simm.s32 @p0 $0x1FC3;
	[bflag:$0x0] =	sbarrier.arrive $0xFFFF  }
0x67: {  	[hbm:s9], [sflag:s25] =	dma.local @p0 [spmem:s11], $0x2800  }
0x68: {  	s25 =	simm.s32 @p0 $0x3  }
0x69: {  	s24 =	sadd.s32 $0x1, s24;
	_ =	swait.ge @p0 [sflag:s25], $0x2800  }
0x6a: {  	p1 =	sne.s32 s24, s10;
	[sflag:s25] =	ssyncset.done @p0 $0x0  }
.Ltmp1:
0x6b: {  	[sflag:s25] =	ssyncadd.s32 @p0 $0xFFFFD800;
	s25 =	simm.s32 @!p0 $0x3;
	(pc) =	sbr.rel @p1 .LBB2_1-.Ltmp1, $4  }
0x6c: {  	[hbm:s8], [sflag:s12] =	dma.local @!p0 [spmem:s13], $0x2700  }
0x6d: {  	_ =	swait.ge @!p0 [sflag:s25], $0x2700  }
0x6e: {  	[sflag:s25] =	ssyncset.done @!p0 $0x0  }
0x6f: {  	[sflag:s25] =	ssyncadd.s32 @!p0 $0xFFFFD900  }
0x70: {  	_ =	sfence.sel $0x180000  }
0x71: {  	[bflag:$0x0] =	sbarrier.arrive $0xFFFF  }
0x72: {  	p0 =	sne.s32 s0, $0x0;
	_ =	strace $0x9000004D  }
0x73: {  	s0 =	sadd.s32 @!p0 $0x100000, s1;
	[bflag:$0x2] =	sbarrier.arrive $0xFFFF  }
0x74: {  	[sflag:s0] =	ssyncadd.tile.s32 @!p0 $0x1;
	_ =	shalt  }
.Lfunc_end2:
_tile_overlayer_lowered:
.L_overlay_start_2:
0x75: {  	(tag) =	ssettag $0x2  }
0x76: {  	s0 =	rddreg [dreg:$0x0];
	s2 =	stileid.u32  }
0x77: {  	s1 =	rddreg [dreg:$0x1];
	p0 =	sne.s32 s2, $0x0  }
0x78: {  	s3 =	rddreg [dreg:$0x2];
	[bflag:$0x3] =	sbarrier.arrive $0xFFFF;
	s2 =	simm.s32 @!p0 $0x1C03  }
0x79: {  	[timem:s3], [sflag:s2] =	dma.local @!p0 [hbm:s0], s1  }
0x7a: {  	s0 =	simm.s32 @!p0 $0x3  }
0x7b: {  	_ =	swait.ge @!p0 [sflag:s0], s1  }
0x7c: {  	s1 =	ssub.s32 @!p0 $0x0, s1;
	[sflag:s0] =	ssyncset.done @!p0 $0x0  }
0x7d: {  	[sflag:s0] =	ssyncadd.s32 @!p0 s1  }
0x7e: {  	[bflag:$0x3] =	sbarrier.arrive $0xFFFF  }
0x7f: {  	_ =	shalt  }

// kernel: kernel.8.cloned.1.call-start
scs
__scs_entry_jumppad:
0x0: {  	(pc) =	sbr.rel $0x88, $3  }
0x1: {  	(tag) =	ssettag $0x0;
	lr =	simm.s32 $0x1  }
0x2: {  	[smem:$0x3F98] =	sst lr;
	_ =	strace $0xD0000000  }
0x3: {  	_ = 	snop  }
0x4: {  	_ = 	snop  }
0x5: {  	_ = 	snop  }
0x6: {  	_ = 	snop  }
0x7: {  	_ = 	snop  }
__scs_overlays_trampoline_lowered:
0x8: {  	[smem:$0x3FA7] =	sst s0  }
0x9: {  	[smem:$0x3FA8] =	sst s1  }
0xa: {  	[smem:$0x3FA9] =	sst s2  }
0xb: {  	[smem:$0x3FAA] =	sst s3  }
0xc: {  	[smem:$0x3FAB] =	sst s4  }
0xd: {  	[smem:$0x3FAC] =	sst s5  }
0xe: {  	[smem:$0x3FAD] =	sst s6  }
0xf: {  	[smem:$0x3FAE] =	sst s7  }
0x10: {  	[smem:$0x3FAF] =	sst s8  }
0x11: {  	[smem:$0x3FB0] =	sst s9;
	s0 =	simm.s32 @!p0 $0x0  }
0x12: {  	s1 =	sld [smem:$0x3F96];
	s0 =	simm.s32 @p0 $0x1  }
0x13: {  	[smem:$0x3FB1] =	sst s0;
	s0 =	simm.s32 @!p1 $0x0  }
0x14: {  	s2 =	sld [smem:$0x3F95];
	s0 =	simm.s32 @p1 $0x1  }
0x15: {  	[smem:$0x3FB2] =	sst s0;
	s0 =	simm.s32 @!p2 $0x0  }
0x16: {  	s3 =	sld [smem:$0x3FDB];
	s0 =	simm.s32 @p2 $0x1  }
0x17: {  	s4 =	simm.s32 $0x1BF5;
	[smem:$0x3FB4] =	sst s0  }
0x18: {  	s0 =	sld [smem:$0x3F97];
	_ =	swait.ge [sflag:s4], $0x0  }
0x19: {  	s7 =	sld [smem:$0x3F98]  }
0x1a: {  	s8 =	sadd.s32 $0xFFFFE003, lr  }
0x1b: {  	s9 =	sadd.s32 $0xFFFFFEF7, lr;
	s5 =	simm.s32 $0xFFFFFFFF;
	p2 =	slt.u32 s8, $0xFFFFF086  }
0x1c: {  	p1 =	slt.u32 s9, $0xF7A;
	s5 =	simm.s32 @!p2 $0x0  }
0x1d: {  	s5 =	simm.s32 @p1 $0x1;
	p0 =	seq.s32 s7, s2  }
0x1e: {  	s7 =	smul.u32 @!p0 $0xF7A, s2;
	p2 =	seq.s32 @!p0 s5, $0x0  }
0x1f: {  	s9 =	smul.u32 $0xF7A, s1;
	s8 =	simm.s32 @!p0 $0x1BF5;
	p2 =	por !p2, p0  }
0x20: {  	[sflag:s8] =	ssyncset.s32 @!p0 $0xFFFFF086;
	s6 =	sadd.s32 @!p0 s3, s7;
	s7 =	simm.s32 @!p0 $0x108  }
0x21: {  	s3 =	sadd.s32 s3, s9;
	s6 =	sadd.s32 @!p0 $0x88, s6;
	s7 =	simm.s32 @p2 $0x1082  }
0x22: {  	[simem:s7], [sflag:s8] =	dma.local @!p0 [hbm:s6], $0xF7A  }
0x23: {  	s9 =	sor.u32 $0xD0000000, s2;
	s6 =	simm.s32 $0x108;
	_ =	swait.ge @!p0 [sflag:s8], $0x0  }
0x24: {  	s3 =	sadd.s32 $0x88, s3;
	s6 =	simm.s32 @!p1 $0x1082;
	[sflag:s4] =	ssyncset.s32 $0xFFFFF086  }
0x25: {  	[simem:s6], [sflag:s4] =	dma.local [hbm:s3], $0xF7A  }
0x26: {  	[smem:$0x3F98] =	sst s1;
	(tag) =	ssettag s2;
	_ =	strace s9  }
0x27: {  	s1 =	sld [smem:$0x3FA8]  }
0x28: {  	s2 =	sld [smem:$0x3FA9]  }
0x29: {  	s4 =	sld [smem:$0x3FAB]  }
0x2a: {  	p0 =	seq.s32 s5, $0x0;
	s5 =	sld [smem:$0x3FAC]  }
0x2b: {  	s6 =	sld [smem:$0x3FAD]  }
0x2c: {  	s7 =	sld [smem:$0x3FAE]  }
0x2d: {  	s3 =	simm.s32 $0x108;
	s8 =	sld [smem:$0x3FAF]  }
0x2e: {  	s3 =	simm.s32 @!p0 $0x1082;
	s9 =	sld [smem:$0x3FB0]  }
0x2f: {  	lr =	sadd.s32 s0, s3;
	s0 =	sld [smem:$0x3FA7]  }
0x30: {  	s3 =	sld [smem:$0x3FAA]  }
0x31: {  	[smem:$0x3FB3] =	sst s10  }
0x32: {  	s10 =	sld [smem:$0x3FB1];
	_ =	sdelay $0x3  }
0x33: {  	p0 =	seq.s32 s10, $0x1;
	s10 =	sld [smem:$0x3FB3];
	_ =	sdelay $0x3  }
0x34: {  	[smem:$0x3FB3] =	sst s10  }
0x35: {  	s10 =	sld [smem:$0x3FB2];
	_ =	sdelay $0x3  }
0x36: {  	p1 =	seq.s32 s10, $0x1;
	s10 =	sld [smem:$0x3FB3];
	_ =	sdelay $0x3  }
0x37: {  	[smem:$0x3FB3] =	sst s10  }
0x38: {  	s10 =	sld [smem:$0x3FB4]  }
0x39: {  	_ = 	snop;
	(pc) =	sbr.ind lr, $3  }
0x3a: {  	_ = 	snop  }
0x3b: {  	_ = 	snop  }
0x3c: {  	p2 =	seq.s32 s10, $0x1;
	s10 =	sld [smem:$0x3FB3]  }
0x3d: {  	_ =	shalt  }
0x3e: {  	_ =	shalt  }
0x3f: {  	_ =	shalt  }
0x40: {  	_ =	shalt  }
0x41: {  	_ =	shalt  }
0x42: {  	_ =	shalt  }
0x43: {  	_ =	shalt  }
0x44: {  	_ =	shalt  }
0x45: {  	_ =	shalt  }
0x46: {  	_ =	shalt  }
0x47: {  	_ =	shalt  }
0x48: {  	_ =	shalt  }
0x49: {  	_ =	shalt  }
0x4a: {  	_ =	shalt  }
0x4b: {  	_ =	shalt  }
0x4c: {  	_ =	shalt  }
0x4d: {  	_ =	shalt  }
0x4e: {  	_ =	shalt  }
0x4f: {  	_ =	shalt  }
0x50: {  	_ =	shalt  }
0x51: {  	_ =	shalt  }
0x52: {  	_ =	shalt  }
0x53: {  	_ =	shalt  }
0x54: {  	_ =	shalt  }
0x55: {  	_ =	shalt  }
0x56: {  	_ =	shalt  }
0x57: {  	_ =	shalt  }
0x58: {  	_ =	shalt  }
0x59: {  	_ =	shalt  }
0x5a: {  	_ =	shalt  }
0x5b: {  	_ =	shalt  }
0x5c: {  	_ =	shalt  }
0x5d: {  	_ =	shalt  }
0x5e: {  	_ =	shalt  }
0x5f: {  	_ =	shalt  }
0x60: {  	_ =	shalt  }
0x61: {  	_ =	shalt  }
0x62: {  	_ =	shalt  }
0x63: {  	_ =	shalt  }
0x64: {  	_ =	shalt  }
0x65: {  	_ =	shalt  }
0x66: {  	_ =	shalt  }
0x67: {  	_ =	shalt  }
0x68: {  	_ =	shalt  }
0x69: {  	_ =	shalt  }
0x6a: {  	_ =	shalt  }
0x6b: {  	_ =	shalt  }
0x6c: {  	_ =	shalt  }
0x6d: {  	_ =	shalt  }
0x6e: {  	_ =	shalt  }
0x6f: {  	_ =	shalt  }
0x70: {  	_ =	shalt  }
0x71: {  	_ =	shalt  }
0x72: {  	_ =	shalt  }
0x73: {  	_ =	shalt  }
0x74: {  	_ =	shalt  }
0x75: {  	_ =	shalt  }
0x76: {  	_ =	shalt  }
0x77: {  	_ =	shalt  }
0x78: {  	_ =	shalt  }
0x79: {  	_ =	shalt  }
0x7a: {  	_ =	shalt  }
0x7b: {  	_ =	shalt  }
0x7c: {  	_ =	shalt  }
0x7d: {  	_ =	shalt  }
0x7e: {  	_ =	shalt  }
0x7f: {  	_ =	shalt  }
0x80: {  	_ =	shalt  }
0x81: {  	_ =	shalt  }
0x82: {  	_ =	shalt  }
0x83: {  	_ =	shalt  }
0x84: {  	_ =	shalt  }
0x85: {  	_ =	shalt  }
0x86: {  	_ =	shalt  }
0x87: {  	_ =	shalt  }
.Lfunc_end0:
.L_simem_size_0:
called_computation_lowered:
.L_overlay_start_0:
0x88: {  	s2 =	sld [smem:$0x3FD9]  }
0x89: {  	s3 =	sld [smem:$0x3FFE];
	_ =	sdelay $0x1  }
0x8a: {  	s1 =	srdreg.scid  }
0x8b: {  	s0 =	sand.u32 $0x1, s1  }
0x8c: {  	s16 =	sshll.u32 s0, $0xA;
	s2 =	sadd.s32 s3, s2  }
0x8d: {  	s2 =	sadd.s32 s2, s16  }
0x8e: {  	[smem:$0x3FBF] =	sst s2  }
0x8f: {  	_ = 	snop  }
0x90: {  	(tm) =	ssettm $0x1  }
0x91: {  	s17 =	sld [smem:$0x3FFB];
	_ =	sdelay $0x3  }
0x92: {  	_ =	strace s17  }
0x93: {  	s2 =	sld [smem:$0x3FFC];
	_ =	sdelay $0x3  }
0x94: {  	_ =	strace s2  }
0x95: {  	s2 =	sld [smem:$0x3FFD];
	_ =	sdelay $0x3  }
0x96: {  	_ =	strace s2  }
0x97: {  	_ =	strace $0x8FFFFFFF  }
0x98: {  	s18 =	sld [smem:$0x3FDB];
	_ =	sdelay $0x1  }
0x99: {  	s19 =	simm.s32 $_scs_section_size  }
0x9a: {  	s4 =	simm.s32 $_size__tile_overlayer_lowered;
	s5 =	simm.s32 $_tile_overlayer_lowered  }
0x9b: {  	s22 =	simm.s32 $0x1BFF;
	s21 =	sshll.u32 s5, $0x1;
	s2 =	sadd.s32 s19, s18  }
0x9c: {  	s6 =	simm.s32 $0x0;
	s20 =	sshll.u32 s4, $0x1;
	s4 =	sadd.s32 s21, s2  }
0x9d: {  	[timem:s6], [sflag:s22] =	dma.local [hbm:s4], s20  }
0x9e: {  	_ =	swait.ge [sflag:s22], s20  }
0x9f: {  	s3 =	ssub.s32 $0x0, s20;
	[sflag:s22] =	ssyncset.done $0x0  }
0xa0: {  	[sflag:s22] =	ssyncadd.s32 s3;
	_ =	sdelay $0x1  }
0xa1: {  	s23 =	simm.s32 $0x1B8B  }
0xa2: {  	_ =	swait.ge [sflag:s23], $0x1  }
0xa3: {  	[sflag:s23] =	ssyncset.done $0x0  }
0xa4: {  	s25 =	simm.s32 $0x1B8E;
	s24 =	sld [smem:$0x3FFE];
	[sflag:s23] =	ssyncadd.s32 $0xFFFFFFFF  }
0xa5: {  	s26 =	simm.s32 $execute0_lowered;
	[smem:$0x3FD2] =	sst s25  }
0xa6: {  	s4 =	sshll.u32 s26, $0x1;
	_ =	strace $0x80000046;
	[dreg:$0x1] =	wrdreg $0xFFFFFFFF  }
0xa7: {  	s28 =	simm.s32 $_size_execute0_lowered;
	s2 =	sadd.s32 s2, s4;
	[dreg:$0x0] =	wrdreg $0x0  }
0xa8: {  	s4 =	sshll.u32 s28, $0x1;
	[dreg:$0x2] =	wrdreg s2  }
0xa9: {  	[dreg:$0x3] =	wrdreg s4  }
0xaa: {  	[dreg:$0x4] =	wrdreg $0xC0  }
0xab: {  	_ =	task [dreg:s6], $0x5FFFF  }
0xac: {  	[dreg:$0x1] =	wrdreg $0xFFFFFFFF  }
0xad: {  	[dreg:$0x0] =	wrdreg $0x60  }
0xae: {  	[dreg:$0x2] =	wrdreg s24  }
0xaf: {  	[dreg:$0x3] =	wrdreg $0x9  }
0xb0: {  	_ =	task.clear_ibuf [dreg:s6], $0x4FFFF;
	_ =	strace $0x90000046  }
0xb1: {  	s29 =	simm.s32 $0x9;
	_ =	strace $0x80000048  }
0xb2: {  	_ =	swait.ge [sflag:s29], $0x1  }
0xb3: {  	[sflag:s29] =	ssyncadd.s32 $0xFFFFFFFF  }
0xb4: {  	_ =	strace $0x90000048  }
0xb5: {  	_ =	sfence  }
0xb6: {  	s30 =	sld [smem:$0x0];
	_ =	sdelay $0x2  }
0xb7: {  	s31 =	sshll.u32 s1, $0xD;
	s1 =	sshrl.u32 s1, $0x2  }
0xb8: {  	s3 =	sand.u32 $0x4000, s31;
	s1 =	sadd.s32 s1, s30  }
0xb9: {  	s0 =	sor.u32 s3, s0;
	s1 =	sshll.u32 s1, $0x11  }
0xba: {  	s0 =	sor.u32 s1, s0  }
0xbb: {  	s0 =	sadd.s32 $0x8F2B, s0  }
0xbc: {  	[sflag:s0] =	ssyncadd.remote.s32 $0x1  }
0xbd: {  	_ =	sfence.sel $0xFFFF  }
0xbe: {  	[dreg:$0x0] =	wrdreg $0xFFFFFFFF;
	(pc) =	sbr.abs _section_cstart, $3  }
0xbf: {  	[dreg:$0x1] =	wrdreg $0xFFFFFFFF  }
0xc0: {  	_ =	task.clear_ibuf [dreg:s6], $0x2FFFF;
	_ =	strace $0x9FFFFFFF  }
0xc1: {  	(tm) =	ssettm $0x7FFFFFFF  }
tec
execute0_lowered:
.L_overlay_start_1:
0x0: {  	(tag) =	ssettag $0x1  }
0x1: {  	s1 =	srdreg.scid  }
0x2: {  	s0 =	stileid.u32;
	s4 =	rddreg [dreg:$0x0]  }
0x3: {  	s2 =	simm.s32 $0x0;
	s3 =	sand.u32 $0x1, s1;
	s31 =	sshll.u32 s0, $0x1  }
0x4: {  	s9 =	simm.s32 $0x0;
	s1 =	rddreg [dreg:$0x1];
	s5 =	sor.u32 s3, s31  }
0x5: {  	[smem:$0x7FF] =	sst s2;
	s7 =	ssub.s32 $0x2, s3;
	s6 =	smul.u32 $0x4E2, s5  }
0x6: {  	_ =	strace $0x80000047;
	s5 =	smul.u32 $0x500, s5;
	s8 =	sshrl.u32 s7, $0x1  }
0x7: {  	s3 =	sadd.s32 $0x16800, s4;
	s7 =	ssub.s32 s7, s8;
	s6 =	sadd.s32 s6, s4  }
0x8: {  	s8 =	simm.s32 $0x1;
	s5 =	sadd.s32 s5, s4;
	s4 =	sadd.s32 $0x2C00, s6  }
0x9: {  	v0 =	vimm.f32 $1.000000000e+00;
	s5 =	sadd.s32 $0x19000, s5;
	s6 =	smax.u32 s7, $0x1;
	s7 =	simm.s32 $0x2780  }
.LBB2_1:
0xa: {  	[tilespmem:s7], [sflag:$0x1] =	stream.linear.gather [hbm4b:s3+s2], $0x2800, $0x38;
	[tilespmem:$0x4F80] =	vst v63  }
0xb: {  	_ =	swait.ge [sflag:s8], $0x2800  }
0xc: {  	[sflag:s8] =	ssyncset.done $0x0  }
0xd: {  	[sflag:s8] =	ssyncadd.s32 $0xFFFFD800  }
0xe: {  	[tilespmem:s2], [sflag:$0x1] =	stream.linear.gather [hbm4b:s4+s2], $0x2710, $0x38;
	[tilespmem:$0x4F80] =	vst v63  }
0xf: {  	_ =	swait.ge [sflag:s8], $0x2710  }
0x10: {  	[sflag:s8] =	ssyncset.done $0x0  }
0x11: {  	s11 =	simm.s32 $0x0;
	s10 =	simm.s32 $0x40;
	[sflag:s8] =	ssyncadd.s32 $0xFFFFD8F0  }
.LBB2_2:
0x12: {  	p0 =	sne.s32 s10, $0x9C00;
	v1 =	vld [tilespmem:s11+$0x0];
	_ =	sdelay $0x3  }
.Ltmp0:
0x13: {  	(pc) =	sbr.rel @p0 .LBB2_2-.Ltmp0, $2  }
0x14: {  	_ =	sdelay $0x2  }
0x15: {  	s11 =	sshra.s32 s10, $0x2;
	s10 =	sadd.s32 $0x40, s10;
	[tilespmem:v1+s7+$0x0] =	vst.idx.add.f32.msk $0xffff, v0  }
0x16: {  	v1 =	vld [tilespmem:s11+$0x0];
	_ =	sdelay $0x5  }
0x17: {  	s9 =	sadd.s32 $0x1, s9  }
0x18: {  	p0 =	sne.s32 s9, s6  }
.Ltmp1:
0x19: {  	[tilespmem:v1+s7+$0x0] =	vst.idx.add.f32.msk $0xffff, v0;
	(pc) =	sbr.rel @p0 .LBB2_1-.Ltmp1, $4  }
0x1a: {  	[hbm4b:s5+s2] =	stream.linear.scatter [tilespmem:s7], [sflag:$0x1], $0x2800, $0x38;
	[tilespmem:$0x4F80] =	vst v63  }
0x1b: {  	_ =	swait.ge [sflag:s8], $0x2800  }
0x1c: {  	[sflag:s8] =	ssyncset.done $0x0  }
0x1d: {  	[sflag:s8] =	ssyncadd.s32 $0xFFFFD800  }
0x1e: {  	_ =	sfence.sel $0x180000  }
0x1f: {  	[bflag:$0x0] =	sbarrier.arrive $0xFFFF  }
0x20: {  	p0 =	sne.s32 s0, $0x0;
	_ =	strace $0x90000047  }
0x21: {  	s0 =	sadd.s32 @!p0 $0x100000, s1;
	[bflag:$0x2] =	sbarrier.arrive $0xFFFF  }
0x22: {  	[sflag:s0] =	ssyncadd.tile.s32 @!p0 $0x1;
	_ =	shalt  }
.Lfunc_end2:
_tile_overlayer_lowered:
.L_overlay_start_2:
0x23: {  	(tag) =	ssettag $0x2  }
0x24: {  	s0 =	rddreg [dreg:$0x0];
	s2 =	stileid.u32  }
0x25: {  	s1 =	rddreg [dreg:$0x1];
	p0 =	sne.s32 s2, $0x0  }
0x26: {  	s3 =	rddreg [dreg:$0x2];
	[bflag:$0x3] =	sbarrier.arrive $0xFFFF;
	s2 =	simm.s32 @!p0 $0x1C01  }
0x27: {  	[timem:s3], [sflag:s2] =	dma.local @!p0 [hbm:s0], s1  }
0x28: {  	s0 =	simm.s32 @!p0 $0x1  }
0x29: {  	_ =	swait.ge @!p0 [sflag:s0], s1  }
0x2a: {  	s1 =	ssub.s32 @!p0 $0x0, s1;
	[sflag:s0] =	ssyncset.done @!p0 $0x0  }
0x2b: {  	[sflag:s0] =	ssyncadd.s32 @!p0 s1  }
0x2c: {  	[bflag:$0x3] =	sbarrier.arrive $0xFFFF  }
0x2d: {  	_ =	shalt  }

</sc_bundles>
